<compile_context>
chip_gen: v7x
topology: tpu7x:2x2x1
jax: 0.10.2.dev20260603
libtpu: 0.0.44.dev20260713+nightly
codegen_flags: <defaults>
</compile_context>

<pallas_src>
import functools

import jax
import jax.numpy as jnp
from jax import lax
from jax.experimental import pallas as pl
from jax.experimental.pallas import tpu as pltpu
from jax.experimental.pallas import tpu_sc as plsc

N = 10000
D = 128
E = 320000

NC = 2
NS = 16
CH = 128
NFULL = E // CH
C0 = 1232
C1 = NFULL - C0
F0, R0X = C0 // NS, C0 % NS
F1, R1X = C1 // NS, C1 % NS
GMAX = (max(F0, F1) + 1 + 2 + 5) // 6
N_ACC = 10008
ROWS_PW = 632
ROWS_LAST = N_ACC - 15 * ROWS_PW

_sc_mesh = plsc.VectorSubcoreMesh(core_axis_name="c", subcore_axis_name="s")


@functools.partial(
    pl.kernel,
    out_type=jax.ShapeDtypeStruct((NC, N_ACC, D), jnp.float32),
    mesh=_sc_mesh,
    scratch_types=[
        pltpu.VMEM((2, CH), jnp.int32),
        pltpu.VMEM((2, CH), jnp.int32),
        pltpu.VMEM((2, CH), jnp.int32),
        pltpu.VMEM((2, CH), jnp.int32),
        pltpu.VMEM((2, CH), jnp.int32),
        pltpu.VMEM((2, CH), jnp.int32),
        pltpu.VMEM((CH, D), jnp.float32),
        pltpu.VMEM((CH, D), jnp.float32),
        pltpu.VMEM((CH, D), jnp.float32),
        pltpu.VMEM_SHARED((N_ACC, D), jnp.float32),
        pltpu.SemaphoreType.DMA((6,)),
        pltpu.SemaphoreType.DMA((3,)),
        pltpu.SemaphoreType.DMA((3,)),
    ],
)
def _gather_scatter_sum(x_hbm, ei_hbm, zeros_hbm, out_hbm,
                        c0r, c1r, c2r, c3r, c4r, c5r,
                        buf0, buf1, buf2,
                        acc_sh, icsem, gsem, ssem):
    crings = (c0r, c1r, c2r, c3r, c4r, c5r)
    bufs = (buf0, buf1, buf2)
    cid = lax.axis_index("c")
    sid = lax.axis_index("s")
    nch = lax.select(cid == 0,
                     jnp.where(sid < R0X, F0 + 1, F0),
                     jnp.where(sid < R1X, F1 + 1, F1))
    bc0 = jnp.minimum(sid, R0X) * (F0 + 1) + jnp.maximum(sid - R0X, 0) * F0
    bc1 = C0 + jnp.minimum(sid, R1X) * (F1 + 1) + jnp.maximum(sid - R1X, 0) * F1
    ebase = lax.select(cid == 0, bc0, bc1) * CH

    r0 = sid * ROWS_PW

    def cidx_start(k, j):
        pltpu.async_copy(ei_hbm.at[:, pl.ds(ebase + k * CH, CH)], crings[j],
                         icsem.at[j])

    def cidx_wait(k, j):
        pltpu.make_async_copy(ei_hbm.at[:, pl.ds(ebase + k * CH, CH)],
                              crings[j], icsem.at[j]).wait()

    def gather_start(j, r):
        pltpu.async_copy(x_hbm.at[crings[j].at[0]], bufs[r], gsem.at[r])

    def gather_wait(j, r):
        pltpu.make_async_copy(x_hbm.at[crings[j].at[0]], bufs[r],
                              gsem.at[r]).wait()

    def scatter_start(j, r):
        pltpu.async_copy(bufs[r], acc_sh.at[crings[j].at[1]], ssem.at[r],
                         add=True)

    def scatter_wait(j, r):
        pltpu.make_async_copy(bufs[r], acc_sh.at[crings[j].at[1]],
                              ssem.at[r]).wait()

    for j in range(4):
        cidx_start(j, j)
    cidx_wait(0, 0)
    gather_start(0, 0)

    @pl.when(sid < NS - 1)
    def _():
        pltpu.sync_copy(zeros_hbm, acc_sh.at[pl.ds(r0, ROWS_PW)])

    @pl.when(sid == NS - 1)
    def _():
        pltpu.sync_copy(zeros_hbm.at[pl.ds(0, ROWS_LAST)],
                        acc_sh.at[pl.ds((NS - 1) * ROWS_PW, ROWS_LAST)])

    plsc.subcore_barrier()

    def body(g, carry):
        for u in range(6):
            k = g * 6 + u
            @pl.when(jnp.logical_and(k >= 2, k <= nch + 1))
            def _():
                scatter_wait((u - 2) % 6, (u - 2) % 3)
            @pl.when(k + 1 <= nch - 1)
            def _():
                cidx_wait(k + 1, (u + 1) % 6)
                gather_start((u + 1) % 6, (u + 1) % 3)
            @pl.when(k <= nch - 1)
            def _():
                gather_wait(u % 6, u % 3)
                scatter_start(u % 6, u % 3)
            @pl.when(k + 4 <= nch - 1)
            def _():
                cidx_start(k + 4, (u + 4) % 6)
        return carry

    lax.fori_loop(0, GMAX, body, 0)
    plsc.subcore_barrier()

    @pl.when(sid < NS - 1)
    def _():
        pltpu.sync_copy(acc_sh.at[pl.ds(r0, ROWS_PW)],
                        out_hbm.at[cid, pl.ds(r0, ROWS_PW)])

    @pl.when(sid == NS - 1)
    def _():
        pltpu.sync_copy(acc_sh.at[pl.ds((NS - 1) * ROWS_PW, ROWS_LAST)],
                        out_hbm.at[cid, pl.ds((NS - 1) * ROWS_PW, ROWS_LAST)])


BM = 2000


def _linear_body(parts_ref, w_ref, b_ref, o_ref):
    s = parts_ref[0] + parts_ref[1]
    o_ref[...] = lax.dot_general(
        s, w_ref[...], (((1,), (1,)), ((), ())),
        preferred_element_type=jnp.float32) + b_ref[...]


def _linear(parts, W, b2):
    return pl.pallas_call(
        _linear_body,
        grid=(N // BM,),
        in_specs=[
            pl.BlockSpec((NC, BM, D), lambda i: (0, i, 0)),
            pl.BlockSpec((D, D), lambda i: (0, 0)),
            pl.BlockSpec((1, D), lambda i: (0, 0)),
        ],
        out_specs=pl.BlockSpec((BM, D), lambda i: (i, 0)),
        out_shape=jax.ShapeDtypeStruct((N, D), jnp.float32),
    )(parts, W, b2)


def kernel(x, edge_index, W, b):
    zeros = jnp.zeros((ROWS_PW, D), jnp.float32)
    parts = _gather_scatter_sum(x, edge_index, zeros)
    h = _linear(parts, W, b.reshape(1, D))
    return h.reshape(1, N, D)

# --- scband reference (transcript-rebuilt; emitter-appended) ---
"""Pipeline reference for scband-graph-conv-57664230916666 (READ-ONLY COPY).

The authoritative reference and input builder live on the scoring server;
editing this copy changes nothing except your own understanding.
"""

import jax, jax.numpy as jnp
import numpy as np

N = 10000
E = 320000
D_IN = 128
D_OUT = 128


def setup_inputs(seed: int = 0) -> dict:
    key = jax.random.key(seed)
    k1, k2, k3, k4 = jax.random.split(key, 4)
    x = jax.random.normal(k1, (N, D_IN), dtype=jnp.float32)
    edge_index = jax.random.randint(k2, (2, E), 0, N, dtype=jnp.int32)
    # Linear layer parameters (nn.Linear(num_in_feats, num_out_feats, bias=True))
    bound = 1.0 / np.sqrt(D_IN)
    W = jax.random.uniform(k3, (D_OUT, D_IN), dtype=jnp.float32, minval=-bound, maxval=bound)
    b = jax.random.uniform(k4, (D_OUT,), dtype=jnp.float32, minval=-bound, maxval=bound)
    return {"x": x, "edge_index": edge_index, "W": W, "b": b}


def reference(x, edge_index, W, b):
    # set_input_data: node feature field 'h' <- x (full index range, batch of one graph)
    # update_all(copy_src('h','m'), sum('m','h')):
    #   message m_e = h[src_e]; h_dst = sum over incoming edges
    src = edge_index[0]
    dst = edge_index[1]
    msgs = x[src]                                   # gather over edges
    agg = jax.ops.segment_sum(msgs, dst, num_segments=N)  # scatter-add by dst
    # apply_nodes: h = Linear(h)
    h = agg @ W.T + b
    # get_output_data: view(batch_size, num_out_nodes, -1)
    return h.reshape(1, N, D_OUT)

if __name__ == "__main__":
    import jax
    _d = setup_inputs()
    print(jax.jit(kernel)(*tuple(_d.values())))

</pallas_src>

<mosaic_0001>
#map = affine_map<(d0, d1) -> (0, 0)>
#map1 = affine_map<(d0, d1) -> (0, 0, 0)>
module attributes {stable_mosaic.version = 14 : i64} {
  func.func @_gather_scatter_sum(%arg0: i32, %arg1: i32, %arg2: memref<10000x128xf32, #tpu.memory_space<hbm>>, %arg3: memref<2x320000xi32, #tpu.memory_space<hbm>>, %arg4: memref<632x128xf32, #tpu.memory_space<hbm>>, %arg5: memref<2x10008x128xf32, #tpu.memory_space<hbm>>, %arg6: memref<2x128xi32, #tpu.memory_space<vmem>>, %arg7: memref<2x128xi32, #tpu.memory_space<vmem>>, %arg8: memref<2x128xi32, #tpu.memory_space<vmem>>, %arg9: memref<2x128xi32, #tpu.memory_space<vmem>>, %arg10: memref<2x128xi32, #tpu.memory_space<vmem>>, %arg11: memref<2x128xi32, #tpu.memory_space<vmem>>, %arg12: memref<128x128xf32, #tpu.memory_space<vmem>>, %arg13: memref<128x128xf32, #tpu.memory_space<vmem>>, %arg14: memref<128x128xf32, #tpu.memory_space<vmem>>, %arg15: memref<10008x128xf32, #tpu.memory_space<vmem_shared>>, %arg16: memref<6x!tpu.dma_semaphore, #tpu.memory_space<semaphore_mem>>, %arg17: memref<3x!tpu.dma_semaphore, #tpu.memory_space<semaphore_mem>>, %arg18: memref<3x!tpu.dma_semaphore, #tpu.memory_space<semaphore_mem>>) attributes {dimension_semantics = [#tpu.dimension_semantics<core_parallel>, #tpu.dimension_semantics<subcore_parallel>], iteration_bounds = array<i64: 2, 16>, scalar_prefetch = 0 : i64, scratch_operands = 13 : i64, tpu.core_type = #tpu.core_type<sc_vector_subcore>, window_params = [{transform_indices = #map}, {transform_indices = #map}, {transform_indices = #map}, {transform_indices = #map1}]} {
    %eq3A = arith.constant 0 : i32
    %eq3A_0 = arith.cmpi eq, %arg0, %eq3A : i32
    %lt3A = arith.constant 0 : i32
    %lt3A_1 = arith.cmpi slt, %arg1, %lt3A : i32
    %jit3A = arith.constant 78 : i32
    %jit3A_2 = arith.constant 77 : i32
    %select_n3A = arith.select %lt3A_1, %jit3A, %jit3A_2 : i32
    %lt3A_3 = arith.constant 4 : i32
    %lt3A_4 = arith.cmpi slt, %arg1, %lt3A_3 : i32
    %jit3A_5 = arith.constant 80 : i32
    %jit3A_6 = arith.constant 79 : i32
    %select_n3A_7 = arith.select %lt3A_4, %jit3A_5, %jit3A_6 : i32
    %select_n3A_8 = arith.select %eq3A_0, %select_n3A, %select_n3A_7 : i32
    %min3A = arith.constant 0 : i32
    %min3A_9 = arith.minsi %arg1, %min3A : i32
    %mul3A = arith.constant 78 : i32
    %mul3A_10 = arith.muli %min3A_9, %mul3A : i32
    %sub3A = arith.constant 0 : i32
    %sub3A_11 = arith.subi %arg1, %sub3A : i32
    %max3A = arith.constant 0 : i32
    %max3A_12 = arith.maxsi %sub3A_11, %max3A : i32
    %mul3A_13 = arith.constant 77 : i32
    %mul3A_14 = arith.muli %max3A_12, %mul3A_13 : i32
    %add3A = arith.addi %mul3A_10, %mul3A_14 : i32
    %min3A_15 = arith.constant 4 : i32
    %min3A_16 = arith.minsi %arg1, %min3A_15 : i32
    %mul3A_17 = arith.constant 80 : i32
    %mul3A_18 = arith.muli %min3A_16, %mul3A_17 : i32
    %add3A_19 = arith.constant 1232 : i32
    %add3A_20 = arith.addi %add3A_19, %mul3A_18 : i32
    %sub3A_21 = arith.constant 4 : i32
    %sub3A_22 = arith.subi %arg1, %sub3A_21 : i32
    %max3A_23 = arith.constant 0 : i32
    %max3A_24 = arith.maxsi %sub3A_22, %max3A_23 : i32
    %mul3A_25 = arith.constant 79 : i32
    %mul3A_26 = arith.muli %max3A_24, %mul3A_25 : i32
    %add3A_27 = arith.addi %add3A_20, %mul3A_26 : i32
    %eq3A_28 = arith.constant 0 : i32
    %eq3A_29 = arith.cmpi eq, %arg0, %eq3A_28 : i32
    %select_n3A_30 = arith.select %eq3A_29, %add3A, %add3A_27 : i32
    %mul3A_31 = arith.constant 128 : i32
    %mul3A_32 = arith.muli %select_n3A_30, %mul3A_31 : i32
    %mul3A_33 = arith.constant 632 : i32
    %mul3A_34 = arith.muli %arg1, %mul3A_33 : i32
    %add3A_35 = arith.constant 0 : i32
    %add3A_36 = arith.addi %mul3A_32, %add3A_35 : i32
    %dma_start3A = arith.constant 0 : i32
    %dma_start3A_37 = arith.constant 0 : i32
    %dma_start3A_38 = tpu.memref_slice %arg3[%dma_start3A_37, %add3A_36] : memref<2x320000xi32, #tpu.memory_space<hbm>> -> memref<2x128xi32, #tpu.memory_space<hbm>>
    %dma_start3A_39 = tpu.memref_slice %arg16[%dma_start3A] : memref<6x!tpu.dma_semaphore, #tpu.memory_space<semaphore_mem>> -> memref<1x!tpu.dma_semaphore, #tpu.memory_space<semaphore_mem>>
    %dma_start3A_40 = tpu.memref_squeeze %dma_start3A_39 : memref<1x!tpu.dma_semaphore, #tpu.memory_space<semaphore_mem>> -> memref<!tpu.dma_semaphore, #tpu.memory_space<semaphore_mem>>
    %dma_start3A_41 = arith.constant 0 : i32
    %dma_start3A_42 = tpu.memref_slice %arg3[%dma_start3A_41, %add3A_36] : memref<2x320000xi32, #tpu.memory_space<hbm>> -> memref<2x128xi32, #tpu.memory_space<hbm>>
    tpu.enqueue_dma source(%dma_start3A_42 : memref<2x128xi32, #tpu.memory_space<hbm>>) target(%arg6 : memref<2x128xi32, #tpu.memory_space<vmem>>) target_semaphore(%dma_start3A_40 : memref<!tpu.dma_semaphore, #tpu.memory_space<semaphore_mem>>)
    %add3A_43 = arith.constant 128 : i32
    %add3A_44 = arith.addi %mul3A_32, %add3A_43 : i32
    %dma_start3A_45 = arith.constant 1 : i32
    %dma_start3A_46 = arith.constant 0 : i32
    %dma_start3A_47 = tpu.memref_slice %arg3[%dma_start3A_46, %add3A_44] : memref<2x320000xi32, #tpu.memory_space<hbm>> -> memref<2x128xi32, #tpu.memory_space<hbm>>
    %dma_start3A_48 = tpu.memref_slice %arg16[%dma_start3A_45] : memref<6x!tpu.dma_semaphore, #tpu.memory_space<semaphore_mem>> -> memref<1x!tpu.dma_semaphore, #tpu.memory_space<semaphore_mem>>
    %dma_start3A_49 = tpu.memref_squeeze %dma_start3A_48 : memref<1x!tpu.dma_semaphore, #tpu.memory_space<semaphore_mem>> -> memref<!tpu.dma_semaphore, #tpu.memory_space<semaphore_mem>>
    %dma_start3A_50 = arith.constant 0 : i32
    %dma_start3A_51 = tpu.memref_slice %arg3[%dma_start3A_50, %add3A_44] : memref<2x320000xi32, #tpu.memory_space<hbm>> -> memref<2x128xi32, #tpu.memory_space<hbm>>
    tpu.enqueue_dma source(%dma_start3A_51 : memref<2x128xi32, #tpu.memory_space<hbm>>) target(%arg7 : memref<2x128xi32, #tpu.memory_space<vmem>>) target_semaphore(%dma_start3A_49 : memref<!tpu.dma_semaphore, #tpu.memory_space<semaphore_mem>>)
    %add3A_52 = arith.constant 256 : i32
    %add3A_53 = arith.addi %mul3A_32, %add3A_52 : i32
    %dma_start3A_54 = arith.constant 2 : i32
    %dma_start3A_55 = arith.constant 0 : i32
    %dma_start3A_56 = tpu.memref_slice %arg3[%dma_start3A_55, %add3A_53] : memref<2x320000xi32, #tpu.memory_space<hbm>> -> memref<2x128xi32, #tpu.memory_space<hbm>>
    %dma_start3A_57 = tpu.memref_slice %arg16[%dma_start3A_54] : memref<6x!tpu.dma_semaphore, #tpu.memory_space<semaphore_mem>> -> memref<1x!tpu.dma_semaphore, #tpu.memory_space<semaphore_mem>>
    %dma_start3A_58 = tpu.memref_squeeze %dma_start3A_57 : memref<1x!tpu.dma_semaphore, #tpu.memory_space<semaphore_mem>> -> memref<!tpu.dma_semaphore, #tpu.memory_space<semaphore_mem>>
    %dma_start3A_59 = arith.constant 0 : i32
    %dma_start3A_60 = tpu.memref_slice %arg3[%dma_start3A_59, %add3A_53] : memref<2x320000xi32, #tpu.memory_space<hbm>> -> memref<2x128xi32, #tpu.memory_space<hbm>>
    tpu.enqueue_dma source(%dma_start3A_60 : memref<2x128xi32, #tpu.memory_space<hbm>>) target(%arg8 : memref<2x128xi32, #tpu.memory_space<vmem>>) target_semaphore(%dma_start3A_58 : memref<!tpu.dma_semaphore, #tpu.memory_space<semaphore_mem>>)
    %add3A_61 = arith.constant 384 : i32
    %add3A_62 = arith.addi %mul3A_32, %add3A_61 : i32
    %dma_start3A_63 = arith.constant 3 : i32
    %dma_start3A_64 = arith.constant 0 : i32
    %dma_start3A_65 = tpu.memref_slice %arg3[%dma_start3A_64, %add3A_62] : memref<2x320000xi32, #tpu.memory_space<hbm>> -> memref<2x128xi32, #tpu.memory_space<hbm>>
    %dma_start3A_66 = tpu.memref_slice %arg16[%dma_start3A_63] : memref<6x!tpu.dma_semaphore, #tpu.memory_space<semaphore_mem>> -> memref<1x!tpu.dma_semaphore, #tpu.memory_space<semaphore_mem>>
    %dma_start3A_67 = tpu.memref_squeeze %dma_start3A_66 : memref<1x!tpu.dma_semaphore, #tpu.memory_space<semaphore_mem>> -> memref<!tpu.dma_semaphore, #tpu.memory_space<semaphore_mem>>
    %dma_start3A_68 = arith.constant 0 : i32
    %dma_start3A_69 = tpu.memref_slice %arg3[%dma_start3A_68, %add3A_62] : memref<2x320000xi32, #tpu.memory_space<hbm>> -> memref<2x128xi32, #tpu.memory_space<hbm>>
    tpu.enqueue_dma source(%dma_start3A_69 : memref<2x128xi32, #tpu.memory_space<hbm>>) target(%arg9 : memref<2x128xi32, #tpu.memory_space<vmem>>) target_semaphore(%dma_start3A_67 : memref<!tpu.dma_semaphore, #tpu.memory_space<semaphore_mem>>)
    %add3A_70 = arith.constant 0 : i32
    %add3A_71 = arith.addi %mul3A_32, %add3A_70 : i32
    %dma_wait3A = arith.constant 0 : i32
    %dma_wait3A_72 = arith.constant 0 : i32
    %dma_wait3A_73 = tpu.memref_slice %arg3[%dma_wait3A_72, %add3A_71] : memref<2x320000xi32, #tpu.memory_space<hbm>> -> memref<2x128xi32, #tpu.memory_space<hbm>>
    %dma_wait3A_74 = tpu.memref_slice %arg16[%dma_wait3A] : memref<6x!tpu.dma_semaphore, #tpu.memory_space<semaphore_mem>> -> memref<1x!tpu.dma_semaphore, #tpu.memory_space<semaphore_mem>>
    %dma_wait3A_75 = tpu.memref_squeeze %dma_wait3A_74 : memref<1x!tpu.dma_semaphore, #tpu.memory_space<semaphore_mem>> -> memref<!tpu.dma_semaphore, #tpu.memory_space<semaphore_mem>>
    %dma_wait3A_76 = arith.constant 0 : i32
    %dma_wait3A_77 = tpu.memref_slice %arg3[%dma_wait3A_76, %add3A_71] : memref<2x320000xi32, #tpu.memory_space<hbm>> -> memref<2x128xi32, #tpu.memory_space<hbm>>
    tpu.wait_dma2 semaphore(%dma_wait3A_75 : memref<!tpu.dma_semaphore, #tpu.memory_space<semaphore_mem>>) src(%dma_wait3A_77 : memref<2x128xi32, #tpu.memory_space<hbm>>) dst(%arg6 : memref<2x128xi32, #tpu.memory_space<vmem>>)
    %dma_start3A_78 = arith.constant 0 : i32
    %dma_start3A_79 = arith.constant 0 : i32
    %dma_start3A_80 = arith.constant 0 : i32
    %dma_start3A_81 = tpu.memref_slice %arg6[%dma_start3A_78, %dma_start3A_80] : memref<2x128xi32, #tpu.memory_space<vmem>> -> memref<1x128xi32, #tpu.memory_space<vmem>>
    %dma_start3A_82 = tpu.memref_squeeze %dma_start3A_81 : memref<1x128xi32, #tpu.memory_space<vmem>> -> memref<128xi32, #tpu.memory_space<vmem>>
    %dma_start3A_83 = arith.constant 0 : i32
    %dma_start3A_84 = arith.constant 0 : i32
    %dma_start3A_85 = tpu.memref_slice %arg2[%dma_start3A_83, %dma_start3A_84] : memref<10000x128xf32, #tpu.memory_space<hbm>> -> memref<10000x128xf32, #tpu.memory_space<hbm>>
    %dma_start3A_86 = tpu.memref_slice %arg17[%dma_start3A_79] : memref<3x!tpu.dma_semaphore, #tpu.memory_space<semaphore_mem>> -> memref<1x!tpu.dma_semaphore, #tpu.memory_space<semaphore_mem>>
    %dma_start3A_87 = tpu.memref_squeeze %dma_start3A_86 : memref<1x!tpu.dma_semaphore, #tpu.memory_space<semaphore_mem>> -> memref<!tpu.dma_semaphore, #tpu.memory_space<semaphore_mem>>
    tpu.enqueue_indirect_dma source(%dma_start3A_85 : memref<10000x128xf32, #tpu.memory_space<hbm>>) target(%arg12 : memref<128x128xf32, #tpu.memory_space<vmem>>) offsets(%dma_start3A_82 : memref<128xi32, #tpu.memory_space<vmem>>) semaphore(%dma_start3A_87 : memref<!tpu.dma_semaphore, #tpu.memory_space<semaphore_mem>>)
    %lt3A_88 = arith.constant 15 : i32
    %lt3A_89 = arith.cmpi slt, %arg1, %lt3A_88 : i32
    %convert_element_type3A = arith.extui %lt3A_89 : i1 to i32
    %cond3A = arith.constant 0 : i32
    %cond3A_90 = arith.cmpi ne, %convert_element_type3A, %cond3A : i32
    scf.if %cond3A_90 {
      "tpu.region"() ({
        %run_scoped3A = tpu.sem_alloc : memref<!tpu.dma_semaphore, #tpu.memory_space<semaphore_mem>>
        %dma_start3A_112 = arith.constant 0 : i32
        %dma_start3A_113 = tpu.memref_slice %arg15[%mul3A_34, %dma_start3A_112] : memref<10008x128xf32, #tpu.memory_space<vmem_shared>> -> memref<632x128xf32, #tpu.memory_space<vmem_shared>>
        tpu.enqueue_dma source(%arg4 : memref<632x128xf32, #tpu.memory_space<hbm>>) target(%dma_start3A_113 : memref<632x128xf32, #tpu.memory_space<vmem_shared>>) target_semaphore(%run_scoped3A : memref<!tpu.dma_semaphore, #tpu.memory_space<semaphore_mem>>)
        %dma_wait3A_114 = arith.constant 0 : i32
        %dma_wait3A_115 = tpu.memref_slice %arg15[%mul3A_34, %dma_wait3A_114] : memref<10008x128xf32, #tpu.memory_space<vmem_shared>> -> memref<632x128xf32, #tpu.memory_space<vmem_shared>>
        tpu.wait_dma2 semaphore(%run_scoped3A : memref<!tpu.dma_semaphore, #tpu.memory_space<semaphore_mem>>) src(%arg4 : memref<632x128xf32, #tpu.memory_space<hbm>>) dst(%dma_wait3A_115 : memref<632x128xf32, #tpu.memory_space<vmem_shared>>)
        tpu.yield
      }) : () -> ()
    } else {
    }
    %eq3A_91 = arith.constant 15 : i32
    %eq3A_92 = arith.cmpi eq, %arg1, %eq3A_91 : i32
    %convert_element_type3A_93 = arith.extui %eq3A_92 : i1 to i32
    %cond3A_94 = arith.constant 0 : i32
    %cond3A_95 = arith.cmpi ne, %convert_element_type3A_93, %cond3A_94 : i32
    scf.if %cond3A_95 {
      "tpu.region"() ({
        %run_scoped3A = tpu.sem_alloc : memref<!tpu.dma_semaphore, #tpu.memory_space<semaphore_mem>>
        %dma_start3A_112 = arith.constant 9480 : i32
        %dma_start3A_113 = arith.constant 0 : i32
        %dma_start3A_114 = tpu.memref_slice %arg15[%dma_start3A_112, %dma_start3A_113] : memref<10008x128xf32, #tpu.memory_space<vmem_shared>> -> memref<528x128xf32, #tpu.memory_space<vmem_shared>>
        %dma_start3A_115 = arith.constant 0 : i32
        %dma_start3A_116 = arith.constant 0 : i32
        %dma_start3A_117 = tpu.memref_slice %arg4[%dma_start3A_115, %dma_start3A_116] : memref<632x128xf32, #tpu.memory_space<hbm>> -> memref<528x128xf32, #tpu.memory_space<hbm>>
        tpu.enqueue_dma source(%dma_start3A_117 : memref<528x128xf32, #tpu.memory_space<hbm>>) target(%dma_start3A_114 : memref<528x128xf32, #tpu.memory_space<vmem_shared>>) target_semaphore(%run_scoped3A : memref<!tpu.dma_semaphore, #tpu.memory_space<semaphore_mem>>)
        %dma_wait3A_118 = arith.constant 9480 : i32
        %dma_wait3A_119 = arith.constant 0 : i32
        %dma_wait3A_120 = tpu.memref_slice %arg15[%dma_wait3A_118, %dma_wait3A_119] : memref<10008x128xf32, #tpu.memory_space<vmem_shared>> -> memref<528x128xf32, #tpu.memory_space<vmem_shared>>
        %dma_wait3A_121 = arith.constant 0 : i32
        %dma_wait3A_122 = arith.constant 0 : i32
        %dma_wait3A_123 = tpu.memref_slice %arg4[%dma_wait3A_121, %dma_wait3A_122] : memref<632x128xf32, #tpu.memory_space<hbm>> -> memref<528x128xf32, #tpu.memory_space<hbm>>
        tpu.wait_dma2 semaphore(%run_scoped3A : memref<!tpu.dma_semaphore, #tpu.memory_space<semaphore_mem>>) src(%dma_wait3A_123 : memref<528x128xf32, #tpu.memory_space<hbm>>) dst(%dma_wait3A_120 : memref<528x128xf32, #tpu.memory_space<vmem_shared>>)
        tpu.yield
      }) : () -> ()
    } else {
    }
    %barrier3A = arith.constant 0 : index
    tpu.barrier barrier_id(%barrier3A)
    %scan3A = arith.constant 0 : i32
    %scan3A_96 = arith.constant 0 : i32
    %scan3A_97 = arith.constant 14 : i32
    %scan3A_98 = arith.addi %scan3A_96, %scan3A_97 : i32
    %scan3A_99 = arith.constant 1 : i32
    scf.for %scan3A_112 = %scan3A_96 to %scan3A_98 step %scan3A_99  : i32 {
      %mul3A_113 = arith.constant 6 : i32
      %mul3A_114 = arith.muli %scan3A_112, %mul3A_113 : i32
      %add3A_115 = arith.constant 0 : i32
      %add3A_116 = arith.addi %mul3A_114, %add3A_115 : i32
      %ge3A = arith.constant 2 : i32
      %ge3A_117 = arith.cmpi sge, %add3A_116, %ge3A : i32
      %add3A_118 = arith.constant 1 : i32
      %add3A_119 = arith.addi %select_n3A_8, %add3A_118 : i32
      %le3A = arith.cmpi sle, %add3A_116, %add3A_119 : i32
      %and3A = arith.andi %ge3A_117, %le3A : i1
      %convert_element_type3A_120 = arith.extui %and3A : i1 to i32
      %cond3A_121 = arith.constant 0 : i32
      %cond3A_122 = arith.cmpi ne, %convert_element_type3A_120, %cond3A_121 : i32
      scf.if %cond3A_122 {
        %dma_wait3A_320 = arith.constant 1 : i32
        %dma_wait3A_321 = arith.constant 1 : i32
        %dma_wait3A_322 = arith.constant 0 : i32
        %dma_wait3A_323 = tpu.memref_slice %arg10[%dma_wait3A_320, %dma_wait3A_322] : memref<2x128xi32, #tpu.memory_space<vmem>> -> memref<1x128xi32, #tpu.memory_space<vmem>>
        %dma_wait3A_324 = tpu.memref_squeeze %dma_wait3A_323 : memref<1x128xi32, #tpu.memory_space<vmem>> -> memref<128xi32, #tpu.memory_space<vmem>>
        %dma_wait3A_325 = arith.constant 0 : i32
        %dma_wait3A_326 = arith.constant 0 : i32
        %dma_wait3A_327 = tpu.memref_slice %arg15[%dma_wait3A_325, %dma_wait3A_326] : memref<10008x128xf32, #tpu.memory_space<vmem_shared>> -> memref<10008x128xf32, #tpu.memory_space<vmem_shared>>
        %dma_wait3A_328 = tpu.memref_slice %arg18[%dma_wait3A_321] : memref<3x!tpu.dma_semaphore, #tpu.memory_space<semaphore_mem>> -> memref<1x!tpu.dma_semaphore, #tpu.memory_space<semaphore_mem>>
        %dma_wait3A_329 = tpu.memref_squeeze %dma_wait3A_328 : memref<1x!tpu.dma_semaphore, #tpu.memory_space<semaphore_mem>> -> memref<!tpu.dma_semaphore, #tpu.memory_space<semaphore_mem>>
        tpu.wait_indirect_dma semaphore(%dma_wait3A_329 : memref<!tpu.dma_semaphore, #tpu.memory_space<semaphore_mem>>) src(%arg13 : memref<128x128xf32, #tpu.memory_space<vmem>>) dst(%dma_wait3A_327 : memref<10008x128xf32, #tpu.memory_space<vmem_shared>>)
      } else {
      }
      %add3A_123 = arith.constant 1 : i32
      %add3A_124 = arith.addi %add3A_116, %add3A_123 : i32
      %sub3A_125 = arith.constant 1 : i32
      %sub3A_126 = arith.subi %select_n3A_8, %sub3A_125 : i32
      %le3A_127 = arith.cmpi sle, %add3A_124, %sub3A_126 : i32
      %convert_element_type3A_128 = arith.extui %le3A_127 : i1 to i32
      %cond3A_129 = arith.constant 0 : i32
      %cond3A_130 = arith.cmpi ne, %convert_element_type3A_128, %cond3A_129 : i32
      scf.if %cond3A_130 {
        %add3A_320 = arith.constant 1 : i32
        %add3A_321 = arith.addi %add3A_116, %add3A_320 : i32
        %mul3A_322 = arith.constant 128 : i32
        %mul3A_323 = arith.muli %add3A_321, %mul3A_322 : i32
        %add3A_324 = arith.addi %mul3A_32, %mul3A_323 : i32
        %dma_wait3A_325 = arith.constant 1 : i32
        %dma_wait3A_326 = arith.constant 0 : i32
        %dma_wait3A_327 = tpu.memref_slice %arg3[%dma_wait3A_326, %add3A_324] : memref<2x320000xi32, #tpu.memory_space<hbm>> -> memref<2x128xi32, #tpu.memory_space<hbm>>
        %dma_wait3A_328 = tpu.memref_slice %arg16[%dma_wait3A_325] : memref<6x!tpu.dma_semaphore, #tpu.memory_space<semaphore_mem>> -> memref<1x!tpu.dma_semaphore, #tpu.memory_space<semaphore_mem>>
        %dma_wait3A_329 = tpu.memref_squeeze %dma_wait3A_328 : memref<1x!tpu.dma_semaphore, #tpu.memory_space<semaphore_mem>> -> memref<!tpu.dma_semaphore, #tpu.memory_space<semaphore_mem>>
        %dma_wait3A_330 = arith.constant 0 : i32
        %dma_wait3A_331 = tpu.memref_slice %arg3[%dma_wait3A_330, %add3A_324] : memref<2x320000xi32, #tpu.memory_space<hbm>> -> memref<2x128xi32, #tpu.memory_space<hbm>>
        tpu.wait_dma2 semaphore(%dma_wait3A_329 : memref<!tpu.dma_semaphore, #tpu.memory_space<semaphore_mem>>) src(%dma_wait3A_331 : memref<2x128xi32, #tpu.memory_space<hbm>>) dst(%arg7 : memref<2x128xi32, #tpu.memory_space<vmem>>)
        %dma_start3A_332 = arith.constant 0 : i32
        %dma_start3A_333 = arith.constant 1 : i32
        %dma_start3A_334 = arith.constant 0 : i32
        %dma_start3A_335 = tpu.memref_slice %arg7[%dma_start3A_332, %dma_start3A_334] : memref<2x128xi32, #tpu.memory_space<vmem>> -> memref<1x128xi32, #tpu.memory_space<vmem>>
        %dma_start3A_336 = tpu.memref_squeeze %dma_start3A_335 : memref<1x128xi32, #tpu.memory_space<vmem>> -> memref<128xi32, #tpu.memory_space<vmem>>
        %dma_start3A_337 = arith.constant 0 : i32
        %dma_start3A_338 = arith.constant 0 : i32
        %dma_start3A_339 = tpu.memref_slice %arg2[%dma_start3A_337, %dma_start3A_338] : memref<10000x128xf32, #tpu.memory_space<hbm>> -> memref<10000x128xf32, #tpu.memory_space<hbm>>
        %dma_start3A_340 = tpu.memref_slice %arg17[%dma_start3A_333] : memref<3x!tpu.dma_semaphore, #tpu.memory_space<semaphore_mem>> -> memref<1x!tpu.dma_semaphore, #tpu.memory_space<semaphore_mem>>
        %dma_start3A_341 = tpu.memref_squeeze %dma_start3A_340 : memref<1x!tpu.dma_semaphore, #tpu.memory_space<semaphore_mem>> -> memref<!tpu.dma_semaphore, #tpu.memory_space<semaphore_mem>>
        tpu.enqueue_indirect_dma source(%dma_start3A_339 : memref<10000x128xf32, #tpu.memory_space<hbm>>) target(%arg13 : memref<128x128xf32, #tpu.memory_space<vmem>>) offsets(%dma_start3A_336 : memref<128xi32, #tpu.memory_space<vmem>>) semaphore(%dma_start3A_341 : memref<!tpu.dma_semaphore, #tpu.memory_space<semaphore_mem>>)
      } else {
      }
      %sub3A_131 = arith.constant 1 : i32
      %sub3A_132 = arith.subi %select_n3A_8, %sub3A_131 : i32
      %le3A_133 = arith.cmpi sle, %add3A_116, %sub3A_132 : i32
      %convert_element_type3A_134 = arith.extui %le3A_133 : i1 to i32
      %cond3A_135 = arith.constant 0 : i32
      %cond3A_136 = arith.cmpi ne, %convert_element_type3A_134, %cond3A_135 : i32
      scf.if %cond3A_136 {
        %dma_wait3A_320 = arith.constant 0 : i32
        %dma_wait3A_321 = arith.constant 0 : i32
        %dma_wait3A_322 = arith.constant 0 : i32
        %dma_wait3A_323 = tpu.memref_slice %arg6[%dma_wait3A_320, %dma_wait3A_322] : memref<2x128xi32, #tpu.memory_space<vmem>> -> memref<1x128xi32, #tpu.memory_space<vmem>>
        %dma_wait3A_324 = tpu.memref_squeeze %dma_wait3A_323 : memref<1x128xi32, #tpu.memory_space<vmem>> -> memref<128xi32, #tpu.memory_space<vmem>>
        %dma_wait3A_325 = arith.constant 0 : i32
        %dma_wait3A_326 = arith.constant 0 : i32
        %dma_wait3A_327 = tpu.memref_slice %arg2[%dma_wait3A_325, %dma_wait3A_326] : memref<10000x128xf32, #tpu.memory_space<hbm>> -> memref<10000x128xf32, #tpu.memory_space<hbm>>
        %dma_wait3A_328 = tpu.memref_slice %arg17[%dma_wait3A_321] : memref<3x!tpu.dma_semaphore, #tpu.memory_space<semaphore_mem>> -> memref<1x!tpu.dma_semaphore, #tpu.memory_space<semaphore_mem>>
        %dma_wait3A_329 = tpu.memref_squeeze %dma_wait3A_328 : memref<1x!tpu.dma_semaphore, #tpu.memory_space<semaphore_mem>> -> memref<!tpu.dma_semaphore, #tpu.memory_space<semaphore_mem>>
        tpu.wait_indirect_dma semaphore(%dma_wait3A_329 : memref<!tpu.dma_semaphore, #tpu.memory_space<semaphore_mem>>) src(%dma_wait3A_327 : memref<10000x128xf32, #tpu.memory_space<hbm>>) dst(%arg12 : memref<128x128xf32, #tpu.memory_space<vmem>>)
        %dma_start3A_330 = arith.constant 1 : i32
        %dma_start3A_331 = arith.constant 0 : i32
        %dma_start3A_332 = arith.constant 0 : i32
        %dma_start3A_333 = tpu.memref_slice %arg6[%dma_start3A_330, %dma_start3A_332] : memref<2x128xi32, #tpu.memory_space<vmem>> -> memref<1x128xi32, #tpu.memory_space<vmem>>
        %dma_start3A_334 = tpu.memref_squeeze %dma_start3A_333 : memref<1x128xi32, #tpu.memory_space<vmem>> -> memref<128xi32, #tpu.memory_space<vmem>>
        %dma_start3A_335 = arith.constant 0 : i32
        %dma_start3A_336 = arith.constant 0 : i32
        %dma_start3A_337 = tpu.memref_slice %arg15[%dma_start3A_335, %dma_start3A_336] : memref<10008x128xf32, #tpu.memory_space<vmem_shared>> -> memref<10008x128xf32, #tpu.memory_space<vmem_shared>>
        %dma_start3A_338 = tpu.memref_slice %arg18[%dma_start3A_331] : memref<3x!tpu.dma_semaphore, #tpu.memory_space<semaphore_mem>> -> memref<1x!tpu.dma_semaphore, #tpu.memory_space<semaphore_mem>>
        %dma_start3A_339 = tpu.memref_squeeze %dma_start3A_338 : memref<1x!tpu.dma_semaphore, #tpu.memory_space<semaphore_mem>> -> memref<!tpu.dma_semaphore, #tpu.memory_space<semaphore_mem>>
        tpu.enqueue_indirect_dma source(%arg12 : memref<128x128xf32, #tpu.memory_space<vmem>>) target(%dma_start3A_337 : memref<10008x128xf32, #tpu.memory_space<vmem_shared>>) offsets(%dma_start3A_334 : memref<128xi32, #tpu.memory_space<vmem>>) semaphore(%dma_start3A_339 : memref<!tpu.dma_semaphore, #tpu.memory_space<semaphore_mem>>) {add = true}
      } else {
      }
      %add3A_137 = arith.constant 4 : i32
      %add3A_138 = arith.addi %add3A_116, %add3A_137 : i32
      %sub3A_139 = arith.constant 1 : i32
      %sub3A_140 = arith.subi %select_n3A_8, %sub3A_139 : i32
      %le3A_141 = arith.cmpi sle, %add3A_138, %sub3A_140 : i32
      %convert_element_type3A_142 = arith.extui %le3A_141 : i1 to i32
      %cond3A_143 = arith.constant 0 : i32
      %cond3A_144 = arith.cmpi ne, %convert_element_type3A_142, %cond3A_143 : i32
      scf.if %cond3A_144 {
        %add3A_320 = arith.constant 4 : i32
        %add3A_321 = arith.addi %add3A_116, %add3A_320 : i32
        %mul3A_322 = arith.constant 128 : i32
        %mul3A_323 = arith.muli %add3A_321, %mul3A_322 : i32
        %add3A_324 = arith.addi %mul3A_32, %mul3A_323 : i32
        %dma_start3A_325 = arith.constant 4 : i32
        %dma_start3A_326 = arith.constant 0 : i32
        %dma_start3A_327 = tpu.memref_slice %arg3[%dma_start3A_326, %add3A_324] : memref<2x320000xi32, #tpu.memory_space<hbm>> -> memref<2x128xi32, #tpu.memory_space<hbm>>
        %dma_start3A_328 = tpu.memref_slice %arg16[%dma_start3A_325] : memref<6x!tpu.dma_semaphore, #tpu.memory_space<semaphore_mem>> -> memref<1x!tpu.dma_semaphore, #tpu.memory_space<semaphore_mem>>
        %dma_start3A_329 = tpu.memref_squeeze %dma_start3A_328 : memref<1x!tpu.dma_semaphore, #tpu.memory_space<semaphore_mem>> -> memref<!tpu.dma_semaphore, #tpu.memory_space<semaphore_mem>>
        %dma_start3A_330 = arith.constant 0 : i32
        %dma_start3A_331 = tpu.memref_slice %arg3[%dma_start3A_330, %add3A_324] : memref<2x320000xi32, #tpu.memory_space<hbm>> -> memref<2x128xi32, #tpu.memory_space<hbm>>
        tpu.enqueue_dma source(%dma_start3A_331 : memref<2x128xi32, #tpu.memory_space<hbm>>) target(%arg10 : memref<2x128xi32, #tpu.memory_space<vmem>>) target_semaphore(%dma_start3A_329 : memref<!tpu.dma_semaphore, #tpu.memory_space<semaphore_mem>>)
      } else {
      }
      %mul3A_145 = arith.constant 6 : i32
      %mul3A_146 = arith.muli %scan3A_112, %mul3A_145 : i32
      %add3A_147 = arith.constant 1 : i32
      %add3A_148 = arith.addi %mul3A_146, %add3A_147 : i32
      %ge3A_149 = arith.constant 2 : i32
      %ge3A_150 = arith.cmpi sge, %add3A_148, %ge3A_149 : i32
      %add3A_151 = arith.constant 1 : i32
      %add3A_152 = arith.addi %select_n3A_8, %add3A_151 : i32
      %le3A_153 = arith.cmpi sle, %add3A_148, %add3A_152 : i32
      %and3A_154 = arith.andi %ge3A_150, %le3A_153 : i1
      %convert_element_type3A_155 = arith.extui %and3A_154 : i1 to i32
      %cond3A_156 = arith.constant 0 : i32
      %cond3A_157 = arith.cmpi ne, %convert_element_type3A_155, %cond3A_156 : i32
      scf.if %cond3A_157 {
        %dma_wait3A_320 = arith.constant 1 : i32
        %dma_wait3A_321 = arith.constant 2 : i32
        %dma_wait3A_322 = arith.constant 0 : i32
        %dma_wait3A_323 = tpu.memref_slice %arg11[%dma_wait3A_320, %dma_wait3A_322] : memref<2x128xi32, #tpu.memory_space<vmem>> -> memref<1x128xi32, #tpu.memory_space<vmem>>
        %dma_wait3A_324 = tpu.memref_squeeze %dma_wait3A_323 : memref<1x128xi32, #tpu.memory_space<vmem>> -> memref<128xi32, #tpu.memory_space<vmem>>
        %dma_wait3A_325 = arith.constant 0 : i32
        %dma_wait3A_326 = arith.constant 0 : i32
        %dma_wait3A_327 = tpu.memref_slice %arg15[%dma_wait3A_325, %dma_wait3A_326] : memref<10008x128xf32, #tpu.memory_space<vmem_shared>> -> memref<10008x128xf32, #tpu.memory_space<vmem_shared>>
        %dma_wait3A_328 = tpu.memref_slice %arg18[%dma_wait3A_321] : memref<3x!tpu.dma_semaphore, #tpu.memory_space<semaphore_mem>> -> memref<1x!tpu.dma_semaphore, #tpu.memory_space<semaphore_mem>>
        %dma_wait3A_329 = tpu.memref_squeeze %dma_wait3A_328 : memref<1x!tpu.dma_semaphore, #tpu.memory_space<semaphore_mem>> -> memref<!tpu.dma_semaphore, #tpu.memory_space<semaphore_mem>>
        tpu.wait_indirect_dma semaphore(%dma_wait3A_329 : memref<!tpu.dma_semaphore, #tpu.memory_space<semaphore_mem>>) src(%arg14 : memref<128x128xf32, #tpu.memory_space<vmem>>) dst(%dma_wait3A_327 : memref<10008x128xf32, #tpu.memory_space<vmem_shared>>)
      } else {
      }
      %add3A_158 = arith.constant 1 : i32
      %add3A_159 = arith.addi %add3A_148, %add3A_158 : i32
      %sub3A_160 = arith.constant 1 : i32
      %sub3A_161 = arith.subi %select_n3A_8, %sub3A_160 : i32
      %le3A_162 = arith.cmpi sle, %add3A_159, %sub3A_161 : i32
      %convert_element_type3A_163 = arith.extui %le3A_162 : i1 to i32
      %cond3A_164 = arith.constant 0 : i32
      %cond3A_165 = arith.cmpi ne, %convert_element_type3A_163, %cond3A_164 : i32
      scf.if %cond3A_165 {
        %add3A_320 = arith.constant 1 : i32
        %add3A_321 = arith.addi %add3A_148, %add3A_320 : i32
        %mul3A_322 = arith.constant 128 : i32
        %mul3A_323 = arith.muli %add3A_321, %mul3A_322 : i32
        %add3A_324 = arith.addi %mul3A_32, %mul3A_323 : i32
        %dma_wait3A_325 = arith.constant 2 : i32
        %dma_wait3A_326 = arith.constant 0 : i32
        %dma_wait3A_327 = tpu.memref_slice %arg3[%dma_wait3A_326, %add3A_324] : memref<2x320000xi32, #tpu.memory_space<hbm>> -> memref<2x128xi32, #tpu.memory_space<hbm>>
        %dma_wait3A_328 = tpu.memref_slice %arg16[%dma_wait3A_325] : memref<6x!tpu.dma_semaphore, #tpu.memory_space<semaphore_mem>> -> memref<1x!tpu.dma_semaphore, #tpu.memory_space<semaphore_mem>>
        %dma_wait3A_329 = tpu.memref_squeeze %dma_wait3A_328 : memref<1x!tpu.dma_semaphore, #tpu.memory_space<semaphore_mem>> -> memref<!tpu.dma_semaphore, #tpu.memory_space<semaphore_mem>>
        %dma_wait3A_330 = arith.constant 0 : i32
        %dma_wait3A_331 = tpu.memref_slice %arg3[%dma_wait3A_330, %add3A_324] : memref<2x320000xi32, #tpu.memory_space<hbm>> -> memref<2x128xi32, #tpu.memory_space<hbm>>
        tpu.wait_dma2 semaphore(%dma_wait3A_329 : memref<!tpu.dma_semaphore, #tpu.memory_space<semaphore_mem>>) src(%dma_wait3A_331 : memref<2x128xi32, #tpu.memory_space<hbm>>) dst(%arg8 : memref<2x128xi32, #tpu.memory_space<vmem>>)
        %dma_start3A_332 = arith.constant 0 : i32
        %dma_start3A_333 = arith.constant 2 : i32
        %dma_start3A_334 = arith.constant 0 : i32
        %dma_start3A_335 = tpu.memref_slice %arg8[%dma_start3A_332, %dma_start3A_334] : memref<2x128xi32, #tpu.memory_space<vmem>> -> memref<1x128xi32, #tpu.memory_space<vmem>>
        %dma_start3A_336 = tpu.memref_squeeze %dma_start3A_335 : memref<1x128xi32, #tpu.memory_space<vmem>> -> memref<128xi32, #tpu.memory_space<vmem>>
        %dma_start3A_337 = arith.constant 0 : i32
        %dma_start3A_338 = arith.constant 0 : i32
        %dma_start3A_339 = tpu.memref_slice %arg2[%dma_start3A_337, %dma_start3A_338] : memref<10000x128xf32, #tpu.memory_space<hbm>> -> memref<10000x128xf32, #tpu.memory_space<hbm>>
        %dma_start3A_340 = tpu.memref_slice %arg17[%dma_start3A_333] : memref<3x!tpu.dma_semaphore, #tpu.memory_space<semaphore_mem>> -> memref<1x!tpu.dma_semaphore, #tpu.memory_space<semaphore_mem>>
        %dma_start3A_341 = tpu.memref_squeeze %dma_start3A_340 : memref<1x!tpu.dma_semaphore, #tpu.memory_space<semaphore_mem>> -> memref<!tpu.dma_semaphore, #tpu.memory_space<semaphore_mem>>
        tpu.enqueue_indirect_dma source(%dma_start3A_339 : memref<10000x128xf32, #tpu.memory_space<hbm>>) target(%arg14 : memref<128x128xf32, #tpu.memory_space<vmem>>) offsets(%dma_start3A_336 : memref<128xi32, #tpu.memory_space<vmem>>) semaphore(%dma_start3A_341 : memref<!tpu.dma_semaphore, #tpu.memory_space<semaphore_mem>>)
      } else {
      }
      %sub3A_166 = arith.constant 1 : i32
      %sub3A_167 = arith.subi %select_n3A_8, %sub3A_166 : i32
      %le3A_168 = arith.cmpi sle, %add3A_148, %sub3A_167 : i32
      %convert_element_type3A_169 = arith.extui %le3A_168 : i1 to i32
      %cond3A_170 = arith.constant 0 : i32
      %cond3A_171 = arith.cmpi ne, %convert_element_type3A_169, %cond3A_170 : i32
      scf.if %cond3A_171 {
        %dma_wait3A_320 = arith.constant 0 : i32
        %dma_wait3A_321 = arith.constant 1 : i32
        %dma_wait3A_322 = arith.constant 0 : i32
        %dma_wait3A_323 = tpu.memref_slice %arg7[%dma_wait3A_320, %dma_wait3A_322] : memref<2x128xi32, #tpu.memory_space<vmem>> -> memref<1x128xi32, #tpu.memory_space<vmem>>
        %dma_wait3A_324 = tpu.memref_squeeze %dma_wait3A_323 : memref<1x128xi32, #tpu.memory_space<vmem>> -> memref<128xi32, #tpu.memory_space<vmem>>
        %dma_wait3A_325 = arith.constant 0 : i32
        %dma_wait3A_326 = arith.constant 0 : i32
        %dma_wait3A_327 = tpu.memref_slice %arg2[%dma_wait3A_325, %dma_wait3A_326] : memref<10000x128xf32, #tpu.memory_space<hbm>> -> memref<10000x128xf32, #tpu.memory_space<hbm>>
        %dma_wait3A_328 = tpu.memref_slice %arg17[%dma_wait3A_321] : memref<3x!tpu.dma_semaphore, #tpu.memory_space<semaphore_mem>> -> memref<1x!tpu.dma_semaphore, #tpu.memory_space<semaphore_mem>>
        %dma_wait3A_329 = tpu.memref_squeeze %dma_wait3A_328 : memref<1x!tpu.dma_semaphore, #tpu.memory_space<semaphore_mem>> -> memref<!tpu.dma_semaphore, #tpu.memory_space<semaphore_mem>>
        tpu.wait_indirect_dma semaphore(%dma_wait3A_329 : memref<!tpu.dma_semaphore, #tpu.memory_space<semaphore_mem>>) src(%dma_wait3A_327 : memref<10000x128xf32, #tpu.memory_space<hbm>>) dst(%arg13 : memref<128x128xf32, #tpu.memory_space<vmem>>)
        %dma_start3A_330 = arith.constant 1 : i32
        %dma_start3A_331 = arith.constant 1 : i32
        %dma_start3A_332 = arith.constant 0 : i32
        %dma_start3A_333 = tpu.memref_slice %arg7[%dma_start3A_330, %dma_start3A_332] : memref<2x128xi32, #tpu.memory_space<vmem>> -> memref<1x128xi32, #tpu.memory_space<vmem>>
        %dma_start3A_334 = tpu.memref_squeeze %dma_start3A_333 : memref<1x128xi32, #tpu.memory_space<vmem>> -> memref<128xi32, #tpu.memory_space<vmem>>
        %dma_start3A_335 = arith.constant 0 : i32
        %dma_start3A_336 = arith.constant 0 : i32
        %dma_start3A_337 = tpu.memref_slice %arg15[%dma_start3A_335, %dma_start3A_336] : memref<10008x128xf32, #tpu.memory_space<vmem_shared>> -> memref<10008x128xf32, #tpu.memory_space<vmem_shared>>
        %dma_start3A_338 = tpu.memref_slice %arg18[%dma_start3A_331] : memref<3x!tpu.dma_semaphore, #tpu.memory_space<semaphore_mem>> -> memref<1x!tpu.dma_semaphore, #tpu.memory_space<semaphore_mem>>
        %dma_start3A_339 = tpu.memref_squeeze %dma_start3A_338 : memref<1x!tpu.dma_semaphore, #tpu.memory_space<semaphore_mem>> -> memref<!tpu.dma_semaphore, #tpu.memory_space<semaphore_mem>>
        tpu.enqueue_indirect_dma source(%arg13 : memref<128x128xf32, #tpu.memory_space<vmem>>) target(%dma_start3A_337 : memref<10008x128xf32, #tpu.memory_space<vmem_shared>>) offsets(%dma_start3A_334 : memref<128xi32, #tpu.memory_space<vmem>>) semaphore(%dma_start3A_339 : memref<!tpu.dma_semaphore, #tpu.memory_space<semaphore_mem>>) {add = true}
      } else {
      }
      %add3A_172 = arith.constant 4 : i32
      %add3A_173 = arith.addi %add3A_148, %add3A_172 : i32
      %sub3A_174 = arith.constant 1 : i32
      %sub3A_175 = arith.subi %select_n3A_8, %sub3A_174 : i32
      %le3A_176 = arith.cmpi sle, %add3A_173, %sub3A_175 : i32
      %convert_element_type3A_177 = arith.extui %le3A_176 : i1 to i32
      %cond3A_178 = arith.constant 0 : i32
      %cond3A_179 = arith.cmpi ne, %convert_element_type3A_177, %cond3A_178 : i32
      scf.if %cond3A_179 {
        %add3A_320 = arith.constant 4 : i32
        %add3A_321 = arith.addi %add3A_148, %add3A_320 : i32
        %mul3A_322 = arith.constant 128 : i32
        %mul3A_323 = arith.muli %add3A_321, %mul3A_322 : i32
        %add3A_324 = arith.addi %mul3A_32, %mul3A_323 : i32
        %dma_start3A_325 = arith.constant 5 : i32
        %dma_start3A_326 = arith.constant 0 : i32
        %dma_start3A_327 = tpu.memref_slice %arg3[%dma_start3A_326, %add3A_324] : memref<2x320000xi32, #tpu.memory_space<hbm>> -> memref<2x128xi32, #tpu.memory_space<hbm>>
        %dma_start3A_328 = tpu.memref_slice %arg16[%dma_start3A_325] : memref<6x!tpu.dma_semaphore, #tpu.memory_space<semaphore_mem>> -> memref<1x!tpu.dma_semaphore, #tpu.memory_space<semaphore_mem>>
        %dma_start3A_329 = tpu.memref_squeeze %dma_start3A_328 : memref<1x!tpu.dma_semaphore, #tpu.memory_space<semaphore_mem>> -> memref<!tpu.dma_semaphore, #tpu.memory_space<semaphore_mem>>
        %dma_start3A_330 = arith.constant 0 : i32
        %dma_start3A_331 = tpu.memref_slice %arg3[%dma_start3A_330, %add3A_324] : memref<2x320000xi32, #tpu.memory_space<hbm>> -> memref<2x128xi32, #tpu.memory_space<hbm>>
        tpu.enqueue_dma source(%dma_start3A_331 : memref<2x128xi32, #tpu.memory_space<hbm>>) target(%arg11 : memref<2x128xi32, #tpu.memory_space<vmem>>) target_semaphore(%dma_start3A_329 : memref<!tpu.dma_semaphore, #tpu.memory_space<semaphore_mem>>)
      } else {
      }
      %mul3A_180 = arith.constant 6 : i32
      %mul3A_181 = arith.muli %scan3A_112, %mul3A_180 : i32
      %add3A_182 = arith.constant 2 : i32
      %add3A_183 = arith.addi %mul3A_181, %add3A_182 : i32
      %ge3A_184 = arith.constant 2 : i32
      %ge3A_185 = arith.cmpi sge, %add3A_183, %ge3A_184 : i32
      %add3A_186 = arith.constant 1 : i32
      %add3A_187 = arith.addi %select_n3A_8, %add3A_186 : i32
      %le3A_188 = arith.cmpi sle, %add3A_183, %add3A_187 : i32
      %and3A_189 = arith.andi %ge3A_185, %le3A_188 : i1
      %convert_element_type3A_190 = arith.extui %and3A_189 : i1 to i32
      %cond3A_191 = arith.constant 0 : i32
      %cond3A_192 = arith.cmpi ne, %convert_element_type3A_190, %cond3A_191 : i32
      scf.if %cond3A_192 {
        %dma_wait3A_320 = arith.constant 1 : i32
        %dma_wait3A_321 = arith.constant 0 : i32
        %dma_wait3A_322 = arith.constant 0 : i32
        %dma_wait3A_323 = tpu.memref_slice %arg6[%dma_wait3A_320, %dma_wait3A_322] : memref<2x128xi32, #tpu.memory_space<vmem>> -> memref<1x128xi32, #tpu.memory_space<vmem>>
        %dma_wait3A_324 = tpu.memref_squeeze %dma_wait3A_323 : memref<1x128xi32, #tpu.memory_space<vmem>> -> memref<128xi32, #tpu.memory_space<vmem>>
        %dma_wait3A_325 = arith.constant 0 : i32
        %dma_wait3A_326 = arith.constant 0 : i32
        %dma_wait3A_327 = tpu.memref_slice %arg15[%dma_wait3A_325, %dma_wait3A_326] : memref<10008x128xf32, #tpu.memory_space<vmem_shared>> -> memref<10008x128xf32, #tpu.memory_space<vmem_shared>>
        %dma_wait3A_328 = tpu.memref_slice %arg18[%dma_wait3A_321] : memref<3x!tpu.dma_semaphore, #tpu.memory_space<semaphore_mem>> -> memref<1x!tpu.dma_semaphore, #tpu.memory_space<semaphore_mem>>
        %dma_wait3A_329 = tpu.memref_squeeze %dma_wait3A_328 : memref<1x!tpu.dma_semaphore, #tpu.memory_space<semaphore_mem>> -> memref<!tpu.dma_semaphore, #tpu.memory_space<semaphore_mem>>
        tpu.wait_indirect_dma semaphore(%dma_wait3A_329 : memref<!tpu.dma_semaphore, #tpu.memory_space<semaphore_mem>>) src(%arg12 : memref<128x128xf32, #tpu.memory_space<vmem>>) dst(%dma_wait3A_327 : memref<10008x128xf32, #tpu.memory_space<vmem_shared>>)
      } else {
      }
      %add3A_193 = arith.constant 1 : i32
      %add3A_194 = arith.addi %add3A_183, %add3A_193 : i32
      %sub3A_195 = arith.constant 1 : i32
      %sub3A_196 = arith.subi %select_n3A_8, %sub3A_195 : i32
      %le3A_197 = arith.cmpi sle, %add3A_194, %sub3A_196 : i32
      %convert_element_type3A_198 = arith.extui %le3A_197 : i1 to i32
      %cond3A_199 = arith.constant 0 : i32
      %cond3A_200 = arith.cmpi ne, %convert_element_type3A_198, %cond3A_199 : i32
      scf.if %cond3A_200 {
        %add3A_320 = arith.constant 1 : i32
        %add3A_321 = arith.addi %add3A_183, %add3A_320 : i32
        %mul3A_322 = arith.constant 128 : i32
        %mul3A_323 = arith.muli %add3A_321, %mul3A_322 : i32
        %add3A_324 = arith.addi %mul3A_32, %mul3A_323 : i32
        %dma_wait3A_325 = arith.constant 3 : i32
        %dma_wait3A_326 = arith.constant 0 : i32
        %dma_wait3A_327 = tpu.memref_slice %arg3[%dma_wait3A_326, %add3A_324] : memref<2x320000xi32, #tpu.memory_space<hbm>> -> memref<2x128xi32, #tpu.memory_space<hbm>>
        %dma_wait3A_328 = tpu.memref_slice %arg16[%dma_wait3A_325] : memref<6x!tpu.dma_semaphore, #tpu.memory_space<semaphore_mem>> -> memref<1x!tpu.dma_semaphore, #tpu.memory_space<semaphore_mem>>
        %dma_wait3A_329 = tpu.memref_squeeze %dma_wait3A_328 : memref<1x!tpu.dma_semaphore, #tpu.memory_space<semaphore_mem>> -> memref<!tpu.dma_semaphore, #tpu.memory_space<semaphore_mem>>
        %dma_wait3A_330 = arith.constant 0 : i32
        %dma_wait3A_331 = tpu.memref_slice %arg3[%dma_wait3A_330, %add3A_324] : memref<2x320000xi32, #tpu.memory_space<hbm>> -> memref<2x128xi32, #tpu.memory_space<hbm>>
        tpu.wait_dma2 semaphore(%dma_wait3A_329 : memref<!tpu.dma_semaphore, #tpu.memory_space<semaphore_mem>>) src(%dma_wait3A_331 : memref<2x128xi32, #tpu.memory_space<hbm>>) dst(%arg9 : memref<2x128xi32, #tpu.memory_space<vmem>>)
        %dma_start3A_332 = arith.constant 0 : i32
        %dma_start3A_333 = arith.constant 0 : i32
        %dma_start3A_334 = arith.constant 0 : i32
        %dma_start3A_335 = tpu.memref_slice %arg9[%dma_start3A_332, %dma_start3A_334] : memref<2x128xi32, #tpu.memory_space<vmem>> -> memref<1x128xi32, #tpu.memory_space<vmem>>
        %dma_start3A_336 = tpu.memref_squeeze %dma_start3A_335 : memref<1x128xi32, #tpu.memory_space<vmem>> -> memref<128xi32, #tpu.memory_space<vmem>>
        %dma_start3A_337 = arith.constant 0 : i32
        %dma_start3A_338 = arith.constant 0 : i32
        %dma_start3A_339 = tpu.memref_slice %arg2[%dma_start3A_337, %dma_start3A_338] : memref<10000x128xf32, #tpu.memory_space<hbm>> -> memref<10000x128xf32, #tpu.memory_space<hbm>>
        %dma_start3A_340 = tpu.memref_slice %arg17[%dma_start3A_333] : memref<3x!tpu.dma_semaphore, #tpu.memory_space<semaphore_mem>> -> memref<1x!tpu.dma_semaphore, #tpu.memory_space<semaphore_mem>>
        %dma_start3A_341 = tpu.memref_squeeze %dma_start3A_340 : memref<1x!tpu.dma_semaphore, #tpu.memory_space<semaphore_mem>> -> memref<!tpu.dma_semaphore, #tpu.memory_space<semaphore_mem>>
        tpu.enqueue_indirect_dma source(%dma_start3A_339 : memref<10000x128xf32, #tpu.memory_space<hbm>>) target(%arg12 : memref<128x128xf32, #tpu.memory_space<vmem>>) offsets(%dma_start3A_336 : memref<128xi32, #tpu.memory_space<vmem>>) semaphore(%dma_start3A_341 : memref<!tpu.dma_semaphore, #tpu.memory_space<semaphore_mem>>)
      } else {
      }
      %sub3A_201 = arith.constant 1 : i32
      %sub3A_202 = arith.subi %select_n3A_8, %sub3A_201 : i32
      %le3A_203 = arith.cmpi sle, %add3A_183, %sub3A_202 : i32
      %convert_element_type3A_204 = arith.extui %le3A_203 : i1 to i32
      %cond3A_205 = arith.constant 0 : i32
      %cond3A_206 = arith.cmpi ne, %convert_element_type3A_204, %cond3A_205 : i32
      scf.if %cond3A_206 {
        %dma_wait3A_320 = arith.constant 0 : i32
        %dma_wait3A_321 = arith.constant 2 : i32
        %dma_wait3A_322 = arith.constant 0 : i32
        %dma_wait3A_323 = tpu.memref_slice %arg8[%dma_wait3A_320, %dma_wait3A_322] : memref<2x128xi32, #tpu.memory_space<vmem>> -> memref<1x128xi32, #tpu.memory_space<vmem>>
        %dma_wait3A_324 = tpu.memref_squeeze %dma_wait3A_323 : memref<1x128xi32, #tpu.memory_space<vmem>> -> memref<128xi32, #tpu.memory_space<vmem>>
        %dma_wait3A_325 = arith.constant 0 : i32
        %dma_wait3A_326 = arith.constant 0 : i32
        %dma_wait3A_327 = tpu.memref_slice %arg2[%dma_wait3A_325, %dma_wait3A_326] : memref<10000x128xf32, #tpu.memory_space<hbm>> -> memref<10000x128xf32, #tpu.memory_space<hbm>>
        %dma_wait3A_328 = tpu.memref_slice %arg17[%dma_wait3A_321] : memref<3x!tpu.dma_semaphore, #tpu.memory_space<semaphore_mem>> -> memref<1x!tpu.dma_semaphore, #tpu.memory_space<semaphore_mem>>
        %dma_wait3A_329 = tpu.memref_squeeze %dma_wait3A_328 : memref<1x!tpu.dma_semaphore, #tpu.memory_space<semaphore_mem>> -> memref<!tpu.dma_semaphore, #tpu.memory_space<semaphore_mem>>
        tpu.wait_indirect_dma semaphore(%dma_wait3A_329 : memref<!tpu.dma_semaphore, #tpu.memory_space<semaphore_mem>>) src(%dma_wait3A_327 : memref<10000x128xf32, #tpu.memory_space<hbm>>) dst(%arg14 : memref<128x128xf32, #tpu.memory_space<vmem>>)
        %dma_start3A_330 = arith.constant 1 : i32
        %dma_start3A_331 = arith.constant 2 : i32
        %dma_start3A_332 = arith.constant 0 : i32
        %dma_start3A_333 = tpu.memref_slice %arg8[%dma_start3A_330, %dma_start3A_332] : memref<2x128xi32, #tpu.memory_space<vmem>> -> memref<1x128xi32, #tpu.memory_space<vmem>>
        %dma_start3A_334 = tpu.memref_squeeze %dma_start3A_333 : memref<1x128xi32, #tpu.memory_space<vmem>> -> memref<128xi32, #tpu.memory_space<vmem>>
        %dma_start3A_335 = arith.constant 0 : i32
        %dma_start3A_336 = arith.constant 0 : i32
        %dma_start3A_337 = tpu.memref_slice %arg15[%dma_start3A_335, %dma_start3A_336] : memref<10008x128xf32, #tpu.memory_space<vmem_shared>> -> memref<10008x128xf32, #tpu.memory_space<vmem_shared>>
        %dma_start3A_338 = tpu.memref_slice %arg18[%dma_start3A_331] : memref<3x!tpu.dma_semaphore, #tpu.memory_space<semaphore_mem>> -> memref<1x!tpu.dma_semaphore, #tpu.memory_space<semaphore_mem>>
        %dma_start3A_339 = tpu.memref_squeeze %dma_start3A_338 : memref<1x!tpu.dma_semaphore, #tpu.memory_space<semaphore_mem>> -> memref<!tpu.dma_semaphore, #tpu.memory_space<semaphore_mem>>
        tpu.enqueue_indirect_dma source(%arg14 : memref<128x128xf32, #tpu.memory_space<vmem>>) target(%dma_start3A_337 : memref<10008x128xf32, #tpu.memory_space<vmem_shared>>) offsets(%dma_start3A_334 : memref<128xi32, #tpu.memory_space<vmem>>) semaphore(%dma_start3A_339 : memref<!tpu.dma_semaphore, #tpu.memory_space<semaphore_mem>>) {add = true}
      } else {
      }
      %add3A_207 = arith.constant 4 : i32
      %add3A_208 = arith.addi %add3A_183, %add3A_207 : i32
      %sub3A_209 = arith.constant 1 : i32
      %sub3A_210 = arith.subi %select_n3A_8, %sub3A_209 : i32
      %le3A_211 = arith.cmpi sle, %add3A_208, %sub3A_210 : i32
      %convert_element_type3A_212 = arith.extui %le3A_211 : i1 to i32
      %cond3A_213 = arith.constant 0 : i32
      %cond3A_214 = arith.cmpi ne, %convert_element_type3A_212, %cond3A_213 : i32
      scf.if %cond3A_214 {
        %add3A_320 = arith.constant 4 : i32
        %add3A_321 = arith.addi %add3A_183, %add3A_320 : i32
        %mul3A_322 = arith.constant 128 : i32
        %mul3A_323 = arith.muli %add3A_321, %mul3A_322 : i32
        %add3A_324 = arith.addi %mul3A_32, %mul3A_323 : i32
        %dma_start3A_325 = arith.constant 0 : i32
        %dma_start3A_326 = arith.constant 0 : i32
        %dma_start3A_327 = tpu.memref_slice %arg3[%dma_start3A_326, %add3A_324] : memref<2x320000xi32, #tpu.memory_space<hbm>> -> memref<2x128xi32, #tpu.memory_space<hbm>>
        %dma_start3A_328 = tpu.memref_slice %arg16[%dma_start3A_325] : memref<6x!tpu.dma_semaphore, #tpu.memory_space<semaphore_mem>> -> memref<1x!tpu.dma_semaphore, #tpu.memory_space<semaphore_mem>>
        %dma_start3A_329 = tpu.memref_squeeze %dma_start3A_328 : memref<1x!tpu.dma_semaphore, #tpu.memory_space<semaphore_mem>> -> memref<!tpu.dma_semaphore, #tpu.memory_space<semaphore_mem>>
        %dma_start3A_330 = arith.constant 0 : i32
        %dma_start3A_331 = tpu.memref_slice %arg3[%dma_start3A_330, %add3A_324] : memref<2x320000xi32, #tpu.memory_space<hbm>> -> memref<2x128xi32, #tpu.memory_space<hbm>>
        tpu.enqueue_dma source(%dma_start3A_331 : memref<2x128xi32, #tpu.memory_space<hbm>>) target(%arg6 : memref<2x128xi32, #tpu.memory_space<vmem>>) target_semaphore(%dma_start3A_329 : memref<!tpu.dma_semaphore, #tpu.memory_space<semaphore_mem>>)
      } else {
      }
      %mul3A_215 = arith.constant 6 : i32
      %mul3A_216 = arith.muli %scan3A_112, %mul3A_215 : i32
      %add3A_217 = arith.constant 3 : i32
      %add3A_218 = arith.addi %mul3A_216, %add3A_217 : i32
      %ge3A_219 = arith.constant 2 : i32
      %ge3A_220 = arith.cmpi sge, %add3A_218, %ge3A_219 : i32
      %add3A_221 = arith.constant 1 : i32
      %add3A_222 = arith.addi %select_n3A_8, %add3A_221 : i32
      %le3A_223 = arith.cmpi sle, %add3A_218, %add3A_222 : i32
      %and3A_224 = arith.andi %ge3A_220, %le3A_223 : i1
      %convert_element_type3A_225 = arith.extui %and3A_224 : i1 to i32
      %cond3A_226 = arith.constant 0 : i32
      %cond3A_227 = arith.cmpi ne, %convert_element_type3A_225, %cond3A_226 : i32
      scf.if %cond3A_227 {
        %dma_wait3A_320 = arith.constant 1 : i32
        %dma_wait3A_321 = arith.constant 1 : i32
        %dma_wait3A_322 = arith.constant 0 : i32
        %dma_wait3A_323 = tpu.memref_slice %arg7[%dma_wait3A_320, %dma_wait3A_322] : memref<2x128xi32, #tpu.memory_space<vmem>> -> memref<1x128xi32, #tpu.memory_space<vmem>>
        %dma_wait3A_324 = tpu.memref_squeeze %dma_wait3A_323 : memref<1x128xi32, #tpu.memory_space<vmem>> -> memref<128xi32, #tpu.memory_space<vmem>>
        %dma_wait3A_325 = arith.constant 0 : i32
        %dma_wait3A_326 = arith.constant 0 : i32
        %dma_wait3A_327 = tpu.memref_slice %arg15[%dma_wait3A_325, %dma_wait3A_326] : memref<10008x128xf32, #tpu.memory_space<vmem_shared>> -> memref<10008x128xf32, #tpu.memory_space<vmem_shared>>
        %dma_wait3A_328 = tpu.memref_slice %arg18[%dma_wait3A_321] : memref<3x!tpu.dma_semaphore, #tpu.memory_space<semaphore_mem>> -> memref<1x!tpu.dma_semaphore, #tpu.memory_space<semaphore_mem>>
        %dma_wait3A_329 = tpu.memref_squeeze %dma_wait3A_328 : memref<1x!tpu.dma_semaphore, #tpu.memory_space<semaphore_mem>> -> memref<!tpu.dma_semaphore, #tpu.memory_space<semaphore_mem>>
        tpu.wait_indirect_dma semaphore(%dma_wait3A_329 : memref<!tpu.dma_semaphore, #tpu.memory_space<semaphore_mem>>) src(%arg13 : memref<128x128xf32, #tpu.memory_space<vmem>>) dst(%dma_wait3A_327 : memref<10008x128xf32, #tpu.memory_space<vmem_shared>>)
      } else {
      }
      %add3A_228 = arith.constant 1 : i32
      %add3A_229 = arith.addi %add3A_218, %add3A_228 : i32
      %sub3A_230 = arith.constant 1 : i32
      %sub3A_231 = arith.subi %select_n3A_8, %sub3A_230 : i32
      %le3A_232 = arith.cmpi sle, %add3A_229, %sub3A_231 : i32
      %convert_element_type3A_233 = arith.extui %le3A_232 : i1 to i32
      %cond3A_234 = arith.constant 0 : i32
      %cond3A_235 = arith.cmpi ne, %convert_element_type3A_233, %cond3A_234 : i32
      scf.if %cond3A_235 {
        %add3A_320 = arith.constant 1 : i32
        %add3A_321 = arith.addi %add3A_218, %add3A_320 : i32
        %mul3A_322 = arith.constant 128 : i32
        %mul3A_323 = arith.muli %add3A_321, %mul3A_322 : i32
        %add3A_324 = arith.addi %mul3A_32, %mul3A_323 : i32
        %dma_wait3A_325 = arith.constant 4 : i32
        %dma_wait3A_326 = arith.constant 0 : i32
        %dma_wait3A_327 = tpu.memref_slice %arg3[%dma_wait3A_326, %add3A_324] : memref<2x320000xi32, #tpu.memory_space<hbm>> -> memref<2x128xi32, #tpu.memory_space<hbm>>
        %dma_wait3A_328 = tpu.memref_slice %arg16[%dma_wait3A_325] : memref<6x!tpu.dma_semaphore, #tpu.memory_space<semaphore_mem>> -> memref<1x!tpu.dma_semaphore, #tpu.memory_space<semaphore_mem>>
        %dma_wait3A_329 = tpu.memref_squeeze %dma_wait3A_328 : memref<1x!tpu.dma_semaphore, #tpu.memory_space<semaphore_mem>> -> memref<!tpu.dma_semaphore, #tpu.memory_space<semaphore_mem>>
        %dma_wait3A_330 = arith.constant 0 : i32
        %dma_wait3A_331 = tpu.memref_slice %arg3[%dma_wait3A_330, %add3A_324] : memref<2x320000xi32, #tpu.memory_space<hbm>> -> memref<2x128xi32, #tpu.memory_space<hbm>>
        tpu.wait_dma2 semaphore(%dma_wait3A_329 : memref<!tpu.dma_semaphore, #tpu.memory_space<semaphore_mem>>) src(%dma_wait3A_331 : memref<2x128xi32, #tpu.memory_space<hbm>>) dst(%arg10 : memref<2x128xi32, #tpu.memory_space<vmem>>)
        %dma_start3A_332 = arith.constant 0 : i32
        %dma_start3A_333 = arith.constant 1 : i32
        %dma_start3A_334 = arith.constant 0 : i32
        %dma_start3A_335 = tpu.memref_slice %arg10[%dma_start3A_332, %dma_start3A_334] : memref<2x128xi32, #tpu.memory_space<vmem>> -> memref<1x128xi32, #tpu.memory_space<vmem>>
        %dma_start3A_336 = tpu.memref_squeeze %dma_start3A_335 : memref<1x128xi32, #tpu.memory_space<vmem>> -> memref<128xi32, #tpu.memory_space<vmem>>
        %dma_start3A_337 = arith.constant 0 : i32
        %dma_start3A_338 = arith.constant 0 : i32
        %dma_start3A_339 = tpu.memref_slice %arg2[%dma_start3A_337, %dma_start3A_338] : memref<10000x128xf32, #tpu.memory_space<hbm>> -> memref<10000x128xf32, #tpu.memory_space<hbm>>
        %dma_start3A_340 = tpu.memref_slice %arg17[%dma_start3A_333] : memref<3x!tpu.dma_semaphore, #tpu.memory_space<semaphore_mem>> -> memref<1x!tpu.dma_semaphore, #tpu.memory_space<semaphore_mem>>
        %dma_start3A_341 = tpu.memref_squeeze %dma_start3A_340 : memref<1x!tpu.dma_semaphore, #tpu.memory_space<semaphore_mem>> -> memref<!tpu.dma_semaphore, #tpu.memory_space<semaphore_mem>>
        tpu.enqueue_indirect_dma source(%dma_start3A_339 : memref<10000x128xf32, #tpu.memory_space<hbm>>) target(%arg13 : memref<128x128xf32, #tpu.memory_space<vmem>>) offsets(%dma_start3A_336 : memref<128xi32, #tpu.memory_space<vmem>>) semaphore(%dma_start3A_341 : memref<!tpu.dma_semaphore, #tpu.memory_space<semaphore_mem>>)
      } else {
      }
      %sub3A_236 = arith.constant 1 : i32
      %sub3A_237 = arith.subi %select_n3A_8, %sub3A_236 : i32
      %le3A_238 = arith.cmpi sle, %add3A_218, %sub3A_237 : i32
      %convert_element_type3A_239 = arith.extui %le3A_238 : i1 to i32
      %cond3A_240 = arith.constant 0 : i32
      %cond3A_241 = arith.cmpi ne, %convert_element_type3A_239, %cond3A_240 : i32
      scf.if %cond3A_241 {
        %dma_wait3A_320 = arith.constant 0 : i32
        %dma_wait3A_321 = arith.constant 0 : i32
        %dma_wait3A_322 = arith.constant 0 : i32
        %dma_wait3A_323 = tpu.memref_slice %arg9[%dma_wait3A_320, %dma_wait3A_322] : memref<2x128xi32, #tpu.memory_space<vmem>> -> memref<1x128xi32, #tpu.memory_space<vmem>>
        %dma_wait3A_324 = tpu.memref_squeeze %dma_wait3A_323 : memref<1x128xi32, #tpu.memory_space<vmem>> -> memref<128xi32, #tpu.memory_space<vmem>>
        %dma_wait3A_325 = arith.constant 0 : i32
        %dma_wait3A_326 = arith.constant 0 : i32
        %dma_wait3A_327 = tpu.memref_slice %arg2[%dma_wait3A_325, %dma_wait3A_326] : memref<10000x128xf32, #tpu.memory_space<hbm>> -> memref<10000x128xf32, #tpu.memory_space<hbm>>
        %dma_wait3A_328 = tpu.memref_slice %arg17[%dma_wait3A_321] : memref<3x!tpu.dma_semaphore, #tpu.memory_space<semaphore_mem>> -> memref<1x!tpu.dma_semaphore, #tpu.memory_space<semaphore_mem>>
        %dma_wait3A_329 = tpu.memref_squeeze %dma_wait3A_328 : memref<1x!tpu.dma_semaphore, #tpu.memory_space<semaphore_mem>> -> memref<!tpu.dma_semaphore, #tpu.memory_space<semaphore_mem>>
        tpu.wait_indirect_dma semaphore(%dma_wait3A_329 : memref<!tpu.dma_semaphore, #tpu.memory_space<semaphore_mem>>) src(%dma_wait3A_327 : memref<10000x128xf32, #tpu.memory_space<hbm>>) dst(%arg12 : memref<128x128xf32, #tpu.memory_space<vmem>>)
        %dma_start3A_330 = arith.constant 1 : i32
        %dma_start3A_331 = arith.constant 0 : i32
        %dma_start3A_332 = arith.constant 0 : i32
        %dma_start3A_333 = tpu.memref_slice %arg9[%dma_start3A_330, %dma_start3A_332] : memref<2x128xi32, #tpu.memory_space<vmem>> -> memref<1x128xi32, #tpu.memory_space<vmem>>
        %dma_start3A_334 = tpu.memref_squeeze %dma_start3A_333 : memref<1x128xi32, #tpu.memory_space<vmem>> -> memref<128xi32, #tpu.memory_space<vmem>>
        %dma_start3A_335 = arith.constant 0 : i32
        %dma_start3A_336 = arith.constant 0 : i32
        %dma_start3A_337 = tpu.memref_slice %arg15[%dma_start3A_335, %dma_start3A_336] : memref<10008x128xf32, #tpu.memory_space<vmem_shared>> -> memref<10008x128xf32, #tpu.memory_space<vmem_shared>>
        %dma_start3A_338 = tpu.memref_slice %arg18[%dma_start3A_331] : memref<3x!tpu.dma_semaphore, #tpu.memory_space<semaphore_mem>> -> memref<1x!tpu.dma_semaphore, #tpu.memory_space<semaphore_mem>>
        %dma_start3A_339 = tpu.memref_squeeze %dma_start3A_338 : memref<1x!tpu.dma_semaphore, #tpu.memory_space<semaphore_mem>> -> memref<!tpu.dma_semaphore, #tpu.memory_space<semaphore_mem>>
        tpu.enqueue_indirect_dma source(%arg12 : memref<128x128xf32, #tpu.memory_space<vmem>>) target(%dma_start3A_337 : memref<10008x128xf32, #tpu.memory_space<vmem_shared>>) offsets(%dma_start3A_334 : memref<128xi32, #tpu.memory_space<vmem>>) semaphore(%dma_start3A_339 : memref<!tpu.dma_semaphore, #tpu.memory_space<semaphore_mem>>) {add = true}
      } else {
      }
      %add3A_242 = arith.constant 4 : i32
      %add3A_243 = arith.addi %add3A_218, %add3A_242 : i32
      %sub3A_244 = arith.constant 1 : i32
      %sub3A_245 = arith.subi %select_n3A_8, %sub3A_244 : i32
      %le3A_246 = arith.cmpi sle, %add3A_243, %sub3A_245 : i32
      %convert_element_type3A_247 = arith.extui %le3A_246 : i1 to i32
      %cond3A_248 = arith.constant 0 : i32
      %cond3A_249 = arith.cmpi ne, %convert_element_type3A_247, %cond3A_248 : i32
      scf.if %cond3A_249 {
        %add3A_320 = arith.constant 4 : i32
        %add3A_321 = arith.addi %add3A_218, %add3A_320 : i32
        %mul3A_322 = arith.constant 128 : i32
        %mul3A_323 = arith.muli %add3A_321, %mul3A_322 : i32
        %add3A_324 = arith.addi %mul3A_32, %mul3A_323 : i32
        %dma_start3A_325 = arith.constant 1 : i32
        %dma_start3A_326 = arith.constant 0 : i32
        %dma_start3A_327 = tpu.memref_slice %arg3[%dma_start3A_326, %add3A_324] : memref<2x320000xi32, #tpu.memory_space<hbm>> -> memref<2x128xi32, #tpu.memory_space<hbm>>
        %dma_start3A_328 = tpu.memref_slice %arg16[%dma_start3A_325] : memref<6x!tpu.dma_semaphore, #tpu.memory_space<semaphore_mem>> -> memref<1x!tpu.dma_semaphore, #tpu.memory_space<semaphore_mem>>
        %dma_start3A_329 = tpu.memref_squeeze %dma_start3A_328 : memref<1x!tpu.dma_semaphore, #tpu.memory_space<semaphore_mem>> -> memref<!tpu.dma_semaphore, #tpu.memory_space<semaphore_mem>>
        %dma_start3A_330 = arith.constant 0 : i32
        %dma_start3A_331 = tpu.memref_slice %arg3[%dma_start3A_330, %add3A_324] : memref<2x320000xi32, #tpu.memory_space<hbm>> -> memref<2x128xi32, #tpu.memory_space<hbm>>
        tpu.enqueue_dma source(%dma_start3A_331 : memref<2x128xi32, #tpu.memory_space<hbm>>) target(%arg7 : memref<2x128xi32, #tpu.memory_space<vmem>>) target_semaphore(%dma_start3A_329 : memref<!tpu.dma_semaphore, #tpu.memory_space<semaphore_mem>>)
      } else {
      }
      %mul3A_250 = arith.constant 6 : i32
      %mul3A_251 = arith.muli %scan3A_112, %mul3A_250 : i32
      %add3A_252 = arith.constant 4 : i32
      %add3A_253 = arith.addi %mul3A_251, %add3A_252 : i32
      %ge3A_254 = arith.constant 2 : i32
      %ge3A_255 = arith.cmpi sge, %add3A_253, %ge3A_254 : i32
      %add3A_256 = arith.constant 1 : i32
      %add3A_257 = arith.addi %select_n3A_8, %add3A_256 : i32
      %le3A_258 = arith.cmpi sle, %add3A_253, %add3A_257 : i32
      %and3A_259 = arith.andi %ge3A_255, %le3A_258 : i1
      %convert_element_type3A_260 = arith.extui %and3A_259 : i1 to i32
      %cond3A_261 = arith.constant 0 : i32
      %cond3A_262 = arith.cmpi ne, %convert_element_type3A_260, %cond3A_261 : i32
      scf.if %cond3A_262 {
        %dma_wait3A_320 = arith.constant 1 : i32
        %dma_wait3A_321 = arith.constant 2 : i32
        %dma_wait3A_322 = arith.constant 0 : i32
        %dma_wait3A_323 = tpu.memref_slice %arg8[%dma_wait3A_320, %dma_wait3A_322] : memref<2x128xi32, #tpu.memory_space<vmem>> -> memref<1x128xi32, #tpu.memory_space<vmem>>
        %dma_wait3A_324 = tpu.memref_squeeze %dma_wait3A_323 : memref<1x128xi32, #tpu.memory_space<vmem>> -> memref<128xi32, #tpu.memory_space<vmem>>
        %dma_wait3A_325 = arith.constant 0 : i32
        %dma_wait3A_326 = arith.constant 0 : i32
        %dma_wait3A_327 = tpu.memref_slice %arg15[%dma_wait3A_325, %dma_wait3A_326] : memref<10008x128xf32, #tpu.memory_space<vmem_shared>> -> memref<10008x128xf32, #tpu.memory_space<vmem_shared>>
        %dma_wait3A_328 = tpu.memref_slice %arg18[%dma_wait3A_321] : memref<3x!tpu.dma_semaphore, #tpu.memory_space<semaphore_mem>> -> memref<1x!tpu.dma_semaphore, #tpu.memory_space<semaphore_mem>>
        %dma_wait3A_329 = tpu.memref_squeeze %dma_wait3A_328 : memref<1x!tpu.dma_semaphore, #tpu.memory_space<semaphore_mem>> -> memref<!tpu.dma_semaphore, #tpu.memory_space<semaphore_mem>>
        tpu.wait_indirect_dma semaphore(%dma_wait3A_329 : memref<!tpu.dma_semaphore, #tpu.memory_space<semaphore_mem>>) src(%arg14 : memref<128x128xf32, #tpu.memory_space<vmem>>) dst(%dma_wait3A_327 : memref<10008x128xf32, #tpu.memory_space<vmem_shared>>)
      } else {
      }
      %add3A_263 = arith.constant 1 : i32
      %add3A_264 = arith.addi %add3A_253, %add3A_263 : i32
      %sub3A_265 = arith.constant 1 : i32
      %sub3A_266 = arith.subi %select_n3A_8, %sub3A_265 : i32
      %le3A_267 = arith.cmpi sle, %add3A_264, %sub3A_266 : i32
      %convert_element_type3A_268 = arith.extui %le3A_267 : i1 to i32
      %cond3A_269 = arith.constant 0 : i32
      %cond3A_270 = arith.cmpi ne, %convert_element_type3A_268, %cond3A_269 : i32
      scf.if %cond3A_270 {
        %add3A_320 = arith.constant 1 : i32
        %add3A_321 = arith.addi %add3A_253, %add3A_320 : i32
        %mul3A_322 = arith.constant 128 : i32
        %mul3A_323 = arith.muli %add3A_321, %mul3A_322 : i32
        %add3A_324 = arith.addi %mul3A_32, %mul3A_323 : i32
        %dma_wait3A_325 = arith.constant 5 : i32
        %dma_wait3A_326 = arith.constant 0 : i32
        %dma_wait3A_327 = tpu.memref_slice %arg3[%dma_wait3A_326, %add3A_324] : memref<2x320000xi32, #tpu.memory_space<hbm>> -> memref<2x128xi32, #tpu.memory_space<hbm>>
        %dma_wait3A_328 = tpu.memref_slice %arg16[%dma_wait3A_325] : memref<6x!tpu.dma_semaphore, #tpu.memory_space<semaphore_mem>> -> memref<1x!tpu.dma_semaphore, #tpu.memory_space<semaphore_mem>>
        %dma_wait3A_329 = tpu.memref_squeeze %dma_wait3A_328 : memref<1x!tpu.dma_semaphore, #tpu.memory_space<semaphore_mem>> -> memref<!tpu.dma_semaphore, #tpu.memory_space<semaphore_mem>>
        %dma_wait3A_330 = arith.constant 0 : i32
        %dma_wait3A_331 = tpu.memref_slice %arg3[%dma_wait3A_330, %add3A_324] : memref<2x320000xi32, #tpu.memory_space<hbm>> -> memref<2x128xi32, #tpu.memory_space<hbm>>
        tpu.wait_dma2 semaphore(%dma_wait3A_329 : memref<!tpu.dma_semaphore, #tpu.memory_space<semaphore_mem>>) src(%dma_wait3A_331 : memref<2x128xi32, #tpu.memory_space<hbm>>) dst(%arg11 : memref<2x128xi32, #tpu.memory_space<vmem>>)
        %dma_start3A_332 = arith.constant 0 : i32
        %dma_start3A_333 = arith.constant 2 : i32
        %dma_start3A_334 = arith.constant 0 : i32
        %dma_start3A_335 = tpu.memref_slice %arg11[%dma_start3A_332, %dma_start3A_334] : memref<2x128xi32, #tpu.memory_space<vmem>> -> memref<1x128xi32, #tpu.memory_space<vmem>>
        %dma_start3A_336 = tpu.memref_squeeze %dma_start3A_335 : memref<1x128xi32, #tpu.memory_space<vmem>> -> memref<128xi32, #tpu.memory_space<vmem>>
        %dma_start3A_337 = arith.constant 0 : i32
        %dma_start3A_338 = arith.constant 0 : i32
        %dma_start3A_339 = tpu.memref_slice %arg2[%dma_start3A_337, %dma_start3A_338] : memref<10000x128xf32, #tpu.memory_space<hbm>> -> memref<10000x128xf32, #tpu.memory_space<hbm>>
        %dma_start3A_340 = tpu.memref_slice %arg17[%dma_start3A_333] : memref<3x!tpu.dma_semaphore, #tpu.memory_space<semaphore_mem>> -> memref<1x!tpu.dma_semaphore, #tpu.memory_space<semaphore_mem>>
        %dma_start3A_341 = tpu.memref_squeeze %dma_start3A_340 : memref<1x!tpu.dma_semaphore, #tpu.memory_space<semaphore_mem>> -> memref<!tpu.dma_semaphore, #tpu.memory_space<semaphore_mem>>
        tpu.enqueue_indirect_dma source(%dma_start3A_339 : memref<10000x128xf32, #tpu.memory_space<hbm>>) target(%arg14 : memref<128x128xf32, #tpu.memory_space<vmem>>) offsets(%dma_start3A_336 : memref<128xi32, #tpu.memory_space<vmem>>) semaphore(%dma_start3A_341 : memref<!tpu.dma_semaphore, #tpu.memory_space<semaphore_mem>>)
      } else {
      }
      %sub3A_271 = arith.constant 1 : i32
      %sub3A_272 = arith.subi %select_n3A_8, %sub3A_271 : i32
      %le3A_273 = arith.cmpi sle, %add3A_253, %sub3A_272 : i32
      %convert_element_type3A_274 = arith.extui %le3A_273 : i1 to i32
      %cond3A_275 = arith.constant 0 : i32
      %cond3A_276 = arith.cmpi ne, %convert_element_type3A_274, %cond3A_275 : i32
      scf.if %cond3A_276 {
        %dma_wait3A_320 = arith.constant 0 : i32
        %dma_wait3A_321 = arith.constant 1 : i32
        %dma_wait3A_322 = arith.constant 0 : i32
        %dma_wait3A_323 = tpu.memref_slice %arg10[%dma_wait3A_320, %dma_wait3A_322] : memref<2x128xi32, #tpu.memory_space<vmem>> -> memref<1x128xi32, #tpu.memory_space<vmem>>
        %dma_wait3A_324 = tpu.memref_squeeze %dma_wait3A_323 : memref<1x128xi32, #tpu.memory_space<vmem>> -> memref<128xi32, #tpu.memory_space<vmem>>
        %dma_wait3A_325 = arith.constant 0 : i32
        %dma_wait3A_326 = arith.constant 0 : i32
        %dma_wait3A_327 = tpu.memref_slice %arg2[%dma_wait3A_325, %dma_wait3A_326] : memref<10000x128xf32, #tpu.memory_space<hbm>> -> memref<10000x128xf32, #tpu.memory_space<hbm>>
        %dma_wait3A_328 = tpu.memref_slice %arg17[%dma_wait3A_321] : memref<3x!tpu.dma_semaphore, #tpu.memory_space<semaphore_mem>> -> memref<1x!tpu.dma_semaphore, #tpu.memory_space<semaphore_mem>>
        %dma_wait3A_329 = tpu.memref_squeeze %dma_wait3A_328 : memref<1x!tpu.dma_semaphore, #tpu.memory_space<semaphore_mem>> -> memref<!tpu.dma_semaphore, #tpu.memory_space<semaphore_mem>>
        tpu.wait_indirect_dma semaphore(%dma_wait3A_329 : memref<!tpu.dma_semaphore, #tpu.memory_space<semaphore_mem>>) src(%dma_wait3A_327 : memref<10000x128xf32, #tpu.memory_space<hbm>>) dst(%arg13 : memref<128x128xf32, #tpu.memory_space<vmem>>)
        %dma_start3A_330 = arith.constant 1 : i32
        %dma_start3A_331 = arith.constant 1 : i32
        %dma_start3A_332 = arith.constant 0 : i32
        %dma_start3A_333 = tpu.memref_slice %arg10[%dma_start3A_330, %dma_start3A_332] : memref<2x128xi32, #tpu.memory_space<vmem>> -> memref<1x128xi32, #tpu.memory_space<vmem>>
        %dma_start3A_334 = tpu.memref_squeeze %dma_start3A_333 : memref<1x128xi32, #tpu.memory_space<vmem>> -> memref<128xi32, #tpu.memory_space<vmem>>
        %dma_start3A_335 = arith.constant 0 : i32
        %dma_start3A_336 = arith.constant 0 : i32
        %dma_start3A_337 = tpu.memref_slice %arg15[%dma_start3A_335, %dma_start3A_336] : memref<10008x128xf32, #tpu.memory_space<vmem_shared>> -> memref<10008x128xf32, #tpu.memory_space<vmem_shared>>
        %dma_start3A_338 = tpu.memref_slice %arg18[%dma_start3A_331] : memref<3x!tpu.dma_semaphore, #tpu.memory_space<semaphore_mem>> -> memref<1x!tpu.dma_semaphore, #tpu.memory_space<semaphore_mem>>
        %dma_start3A_339 = tpu.memref_squeeze %dma_start3A_338 : memref<1x!tpu.dma_semaphore, #tpu.memory_space<semaphore_mem>> -> memref<!tpu.dma_semaphore, #tpu.memory_space<semaphore_mem>>
        tpu.enqueue_indirect_dma source(%arg13 : memref<128x128xf32, #tpu.memory_space<vmem>>) target(%dma_start3A_337 : memref<10008x128xf32, #tpu.memory_space<vmem_shared>>) offsets(%dma_start3A_334 : memref<128xi32, #tpu.memory_space<vmem>>) semaphore(%dma_start3A_339 : memref<!tpu.dma_semaphore, #tpu.memory_space<semaphore_mem>>) {add = true}
      } else {
      }
      %add3A_277 = arith.constant 4 : i32
      %add3A_278 = arith.addi %add3A_253, %add3A_277 : i32
      %sub3A_279 = arith.constant 1 : i32
      %sub3A_280 = arith.subi %select_n3A_8, %sub3A_279 : i32
      %le3A_281 = arith.cmpi sle, %add3A_278, %sub3A_280 : i32
      %convert_element_type3A_282 = arith.extui %le3A_281 : i1 to i32
      %cond3A_283 = arith.constant 0 : i32
      %cond3A_284 = arith.cmpi ne, %convert_element_type3A_282, %cond3A_283 : i32
      scf.if %cond3A_284 {
        %add3A_320 = arith.constant 4 : i32
        %add3A_321 = arith.addi %add3A_253, %add3A_320 : i32
        %mul3A_322 = arith.constant 128 : i32
        %mul3A_323 = arith.muli %add3A_321, %mul3A_322 : i32
        %add3A_324 = arith.addi %mul3A_32, %mul3A_323 : i32
        %dma_start3A_325 = arith.constant 2 : i32
        %dma_start3A_326 = arith.constant 0 : i32
        %dma_start3A_327 = tpu.memref_slice %arg3[%dma_start3A_326, %add3A_324] : memref<2x320000xi32, #tpu.memory_space<hbm>> -> memref<2x128xi32, #tpu.memory_space<hbm>>
        %dma_start3A_328 = tpu.memref_slice %arg16[%dma_start3A_325] : memref<6x!tpu.dma_semaphore, #tpu.memory_space<semaphore_mem>> -> memref<1x!tpu.dma_semaphore, #tpu.memory_space<semaphore_mem>>
        %dma_start3A_329 = tpu.memref_squeeze %dma_start3A_328 : memref<1x!tpu.dma_semaphore, #tpu.memory_space<semaphore_mem>> -> memref<!tpu.dma_semaphore, #tpu.memory_space<semaphore_mem>>
        %dma_start3A_330 = arith.constant 0 : i32
        %dma_start3A_331 = tpu.memref_slice %arg3[%dma_start3A_330, %add3A_324] : memref<2x320000xi32, #tpu.memory_space<hbm>> -> memref<2x128xi32, #tpu.memory_space<hbm>>
        tpu.enqueue_dma source(%dma_start3A_331 : memref<2x128xi32, #tpu.memory_space<hbm>>) target(%arg8 : memref<2x128xi32, #tpu.memory_space<vmem>>) target_semaphore(%dma_start3A_329 : memref<!tpu.dma_semaphore, #tpu.memory_space<semaphore_mem>>)
      } else {
      }
      %mul3A_285 = arith.constant 6 : i32
      %mul3A_286 = arith.muli %scan3A_112, %mul3A_285 : i32
      %add3A_287 = arith.constant 5 : i32
      %add3A_288 = arith.addi %mul3A_286, %add3A_287 : i32
      %ge3A_289 = arith.constant 2 : i32
      %ge3A_290 = arith.cmpi sge, %add3A_288, %ge3A_289 : i32
      %add3A_291 = arith.constant 1 : i32
      %add3A_292 = arith.addi %select_n3A_8, %add3A_291 : i32
      %le3A_293 = arith.cmpi sle, %add3A_288, %add3A_292 : i32
      %and3A_294 = arith.andi %ge3A_290, %le3A_293 : i1
      %convert_element_type3A_295 = arith.extui %and3A_294 : i1 to i32
      %cond3A_296 = arith.constant 0 : i32
      %cond3A_297 = arith.cmpi ne, %convert_element_type3A_295, %cond3A_296 : i32
      scf.if %cond3A_297 {
        %dma_wait3A_320 = arith.constant 1 : i32
        %dma_wait3A_321 = arith.constant 0 : i32
        %dma_wait3A_322 = arith.constant 0 : i32
        %dma_wait3A_323 = tpu.memref_slice %arg9[%dma_wait3A_320, %dma_wait3A_322] : memref<2x128xi32, #tpu.memory_space<vmem>> -> memref<1x128xi32, #tpu.memory_space<vmem>>
        %dma_wait3A_324 = tpu.memref_squeeze %dma_wait3A_323 : memref<1x128xi32, #tpu.memory_space<vmem>> -> memref<128xi32, #tpu.memory_space<vmem>>
        %dma_wait3A_325 = arith.constant 0 : i32
        %dma_wait3A_326 = arith.constant 0 : i32
        %dma_wait3A_327 = tpu.memref_slice %arg15[%dma_wait3A_325, %dma_wait3A_326] : memref<10008x128xf32, #tpu.memory_space<vmem_shared>> -> memref<10008x128xf32, #tpu.memory_space<vmem_shared>>
        %dma_wait3A_328 = tpu.memref_slice %arg18[%dma_wait3A_321] : memref<3x!tpu.dma_semaphore, #tpu.memory_space<semaphore_mem>> -> memref<1x!tpu.dma_semaphore, #tpu.memory_space<semaphore_mem>>
        %dma_wait3A_329 = tpu.memref_squeeze %dma_wait3A_328 : memref<1x!tpu.dma_semaphore, #tpu.memory_space<semaphore_mem>> -> memref<!tpu.dma_semaphore, #tpu.memory_space<semaphore_mem>>
        tpu.wait_indirect_dma semaphore(%dma_wait3A_329 : memref<!tpu.dma_semaphore, #tpu.memory_space<semaphore_mem>>) src(%arg12 : memref<128x128xf32, #tpu.memory_space<vmem>>) dst(%dma_wait3A_327 : memref<10008x128xf32, #tpu.memory_space<vmem_shared>>)
      } else {
      }
      %add3A_298 = arith.constant 1 : i32
      %add3A_299 = arith.addi %add3A_288, %add3A_298 : i32
      %sub3A_300 = arith.constant 1 : i32
      %sub3A_301 = arith.subi %select_n3A_8, %sub3A_300 : i32
      %le3A_302 = arith.cmpi sle, %add3A_299, %sub3A_301 : i32
      %convert_element_type3A_303 = arith.extui %le3A_302 : i1 to i32
      %cond3A_304 = arith.constant 0 : i32
      %cond3A_305 = arith.cmpi ne, %convert_element_type3A_303, %cond3A_304 : i32
      scf.if %cond3A_305 {
        %add3A_320 = arith.constant 1 : i32
        %add3A_321 = arith.addi %add3A_288, %add3A_320 : i32
        %mul3A_322 = arith.constant 128 : i32
        %mul3A_323 = arith.muli %add3A_321, %mul3A_322 : i32
        %add3A_324 = arith.addi %mul3A_32, %mul3A_323 : i32
        %dma_wait3A_325 = arith.constant 0 : i32
        %dma_wait3A_326 = arith.constant 0 : i32
        %dma_wait3A_327 = tpu.memref_slice %arg3[%dma_wait3A_326, %add3A_324] : memref<2x320000xi32, #tpu.memory_space<hbm>> -> memref<2x128xi32, #tpu.memory_space<hbm>>
        %dma_wait3A_328 = tpu.memref_slice %arg16[%dma_wait3A_325] : memref<6x!tpu.dma_semaphore, #tpu.memory_space<semaphore_mem>> -> memref<1x!tpu.dma_semaphore, #tpu.memory_space<semaphore_mem>>
        %dma_wait3A_329 = tpu.memref_squeeze %dma_wait3A_328 : memref<1x!tpu.dma_semaphore, #tpu.memory_space<semaphore_mem>> -> memref<!tpu.dma_semaphore, #tpu.memory_space<semaphore_mem>>
        %dma_wait3A_330 = arith.constant 0 : i32
        %dma_wait3A_331 = tpu.memref_slice %arg3[%dma_wait3A_330, %add3A_324] : memref<2x320000xi32, #tpu.memory_space<hbm>> -> memref<2x128xi32, #tpu.memory_space<hbm>>
        tpu.wait_dma2 semaphore(%dma_wait3A_329 : memref<!tpu.dma_semaphore, #tpu.memory_space<semaphore_mem>>) src(%dma_wait3A_331 : memref<2x128xi32, #tpu.memory_space<hbm>>) dst(%arg6 : memref<2x128xi32, #tpu.memory_space<vmem>>)
        %dma_start3A_332 = arith.constant 0 : i32
        %dma_start3A_333 = arith.constant 0 : i32
        %dma_start3A_334 = arith.constant 0 : i32
        %dma_start3A_335 = tpu.memref_slice %arg6[%dma_start3A_332, %dma_start3A_334] : memref<2x128xi32, #tpu.memory_space<vmem>> -> memref<1x128xi32, #tpu.memory_space<vmem>>
        %dma_start3A_336 = tpu.memref_squeeze %dma_start3A_335 : memref<1x128xi32, #tpu.memory_space<vmem>> -> memref<128xi32, #tpu.memory_space<vmem>>
        %dma_start3A_337 = arith.constant 0 : i32
        %dma_start3A_338 = arith.constant 0 : i32
        %dma_start3A_339 = tpu.memref_slice %arg2[%dma_start3A_337, %dma_start3A_338] : memref<10000x128xf32, #tpu.memory_space<hbm>> -> memref<10000x128xf32, #tpu.memory_space<hbm>>
        %dma_start3A_340 = tpu.memref_slice %arg17[%dma_start3A_333] : memref<3x!tpu.dma_semaphore, #tpu.memory_space<semaphore_mem>> -> memref<1x!tpu.dma_semaphore, #tpu.memory_space<semaphore_mem>>
        %dma_start3A_341 = tpu.memref_squeeze %dma_start3A_340 : memref<1x!tpu.dma_semaphore, #tpu.memory_space<semaphore_mem>> -> memref<!tpu.dma_semaphore, #tpu.memory_space<semaphore_mem>>
        tpu.enqueue_indirect_dma source(%dma_start3A_339 : memref<10000x128xf32, #tpu.memory_space<hbm>>) target(%arg12 : memref<128x128xf32, #tpu.memory_space<vmem>>) offsets(%dma_start3A_336 : memref<128xi32, #tpu.memory_space<vmem>>) semaphore(%dma_start3A_341 : memref<!tpu.dma_semaphore, #tpu.memory_space<semaphore_mem>>)
      } else {
      }
      %sub3A_306 = arith.constant 1 : i32
      %sub3A_307 = arith.subi %select_n3A_8, %sub3A_306 : i32
      %le3A_308 = arith.cmpi sle, %add3A_288, %sub3A_307 : i32
      %convert_element_type3A_309 = arith.extui %le3A_308 : i1 to i32
      %cond3A_310 = arith.constant 0 : i32
      %cond3A_311 = arith.cmpi ne, %convert_element_type3A_309, %cond3A_310 : i32
      scf.if %cond3A_311 {
        %dma_wait3A_320 = arith.constant 0 : i32
        %dma_wait3A_321 = arith.constant 2 : i32
        %dma_wait3A_322 = arith.constant 0 : i32
        %dma_wait3A_323 = tpu.memref_slice %arg11[%dma_wait3A_320, %dma_wait3A_322] : memref<2x128xi32, #tpu.memory_space<vmem>> -> memref<1x128xi32, #tpu.memory_space<vmem>>
        %dma_wait3A_324 = tpu.memref_squeeze %dma_wait3A_323 : memref<1x128xi32, #tpu.memory_space<vmem>> -> memref<128xi32, #tpu.memory_space<vmem>>
        %dma_wait3A_325 = arith.constant 0 : i32
        %dma_wait3A_326 = arith.constant 0 : i32
        %dma_wait3A_327 = tpu.memref_slice %arg2[%dma_wait3A_325, %dma_wait3A_326] : memref<10000x128xf32, #tpu.memory_space<hbm>> -> memref<10000x128xf32, #tpu.memory_space<hbm>>
        %dma_wait3A_328 = tpu.memref_slice %arg17[%dma_wait3A_321] : memref<3x!tpu.dma_semaphore, #tpu.memory_space<semaphore_mem>> -> memref<1x!tpu.dma_semaphore, #tpu.memory_space<semaphore_mem>>
        %dma_wait3A_329 = tpu.memref_squeeze %dma_wait3A_328 : memref<1x!tpu.dma_semaphore, #tpu.memory_space<semaphore_mem>> -> memref<!tpu.dma_semaphore, #tpu.memory_space<semaphore_mem>>
        tpu.wait_indirect_dma semaphore(%dma_wait3A_329 : memref<!tpu.dma_semaphore, #tpu.memory_space<semaphore_mem>>) src(%dma_wait3A_327 : memref<10000x128xf32, #tpu.memory_space<hbm>>) dst(%arg14 : memref<128x128xf32, #tpu.memory_space<vmem>>)
        %dma_start3A_330 = arith.constant 1 : i32
        %dma_start3A_331 = arith.constant 2 : i32
        %dma_start3A_332 = arith.constant 0 : i32
        %dma_start3A_333 = tpu.memref_slice %arg11[%dma_start3A_330, %dma_start3A_332] : memref<2x128xi32, #tpu.memory_space<vmem>> -> memref<1x128xi32, #tpu.memory_space<vmem>>
        %dma_start3A_334 = tpu.memref_squeeze %dma_start3A_333 : memref<1x128xi32, #tpu.memory_space<vmem>> -> memref<128xi32, #tpu.memory_space<vmem>>
        %dma_start3A_335 = arith.constant 0 : i32
        %dma_start3A_336 = arith.constant 0 : i32
        %dma_start3A_337 = tpu.memref_slice %arg15[%dma_start3A_335, %dma_start3A_336] : memref<10008x128xf32, #tpu.memory_space<vmem_shared>> -> memref<10008x128xf32, #tpu.memory_space<vmem_shared>>
        %dma_start3A_338 = tpu.memref_slice %arg18[%dma_start3A_331] : memref<3x!tpu.dma_semaphore, #tpu.memory_space<semaphore_mem>> -> memref<1x!tpu.dma_semaphore, #tpu.memory_space<semaphore_mem>>
        %dma_start3A_339 = tpu.memref_squeeze %dma_start3A_338 : memref<1x!tpu.dma_semaphore, #tpu.memory_space<semaphore_mem>> -> memref<!tpu.dma_semaphore, #tpu.memory_space<semaphore_mem>>
        tpu.enqueue_indirect_dma source(%arg14 : memref<128x128xf32, #tpu.memory_space<vmem>>) target(%dma_start3A_337 : memref<10008x128xf32, #tpu.memory_space<vmem_shared>>) offsets(%dma_start3A_334 : memref<128xi32, #tpu.memory_space<vmem>>) semaphore(%dma_start3A_339 : memref<!tpu.dma_semaphore, #tpu.memory_space<semaphore_mem>>) {add = true}
      } else {
      }
      %add3A_312 = arith.constant 4 : i32
      %add3A_313 = arith.addi %add3A_288, %add3A_312 : i32
      %sub3A_314 = arith.constant 1 : i32
      %sub3A_315 = arith.subi %select_n3A_8, %sub3A_314 : i32
      %le3A_316 = arith.cmpi sle, %add3A_313, %sub3A_315 : i32
      %convert_element_type3A_317 = arith.extui %le3A_316 : i1 to i32
      %cond3A_318 = arith.constant 0 : i32
      %cond3A_319 = arith.cmpi ne, %convert_element_type3A_317, %cond3A_318 : i32
      scf.if %cond3A_319 {
        %add3A_320 = arith.constant 4 : i32
        %add3A_321 = arith.addi %add3A_288, %add3A_320 : i32
        %mul3A_322 = arith.constant 128 : i32
        %mul3A_323 = arith.muli %add3A_321, %mul3A_322 : i32
        %add3A_324 = arith.addi %mul3A_32, %mul3A_323 : i32
        %dma_start3A_325 = arith.constant 3 : i32
        %dma_start3A_326 = arith.constant 0 : i32
        %dma_start3A_327 = tpu.memref_slice %arg3[%dma_start3A_326, %add3A_324] : memref<2x320000xi32, #tpu.memory_space<hbm>> -> memref<2x128xi32, #tpu.memory_space<hbm>>
        %dma_start3A_328 = tpu.memref_slice %arg16[%dma_start3A_325] : memref<6x!tpu.dma_semaphore, #tpu.memory_space<semaphore_mem>> -> memref<1x!tpu.dma_semaphore, #tpu.memory_space<semaphore_mem>>
        %dma_start3A_329 = tpu.memref_squeeze %dma_start3A_328 : memref<1x!tpu.dma_semaphore, #tpu.memory_space<semaphore_mem>> -> memref<!tpu.dma_semaphore, #tpu.memory_space<semaphore_mem>>
        %dma_start3A_330 = arith.constant 0 : i32
        %dma_start3A_331 = tpu.memref_slice %arg3[%dma_start3A_330, %add3A_324] : memref<2x320000xi32, #tpu.memory_space<hbm>> -> memref<2x128xi32, #tpu.memory_space<hbm>>
        tpu.enqueue_dma source(%dma_start3A_331 : memref<2x128xi32, #tpu.memory_space<hbm>>) target(%arg9 : memref<2x128xi32, #tpu.memory_space<vmem>>) target_semaphore(%dma_start3A_329 : memref<!tpu.dma_semaphore, #tpu.memory_space<semaphore_mem>>)
      } else {
      }
    }
    %scan3A_100 = arith.constant 14 : i32
    %barrier3A_101 = arith.constant 0 : index
    tpu.barrier barrier_id(%barrier3A_101)
    %lt3A_102 = arith.constant 15 : i32
    %lt3A_103 = arith.cmpi slt, %arg1, %lt3A_102 : i32
    %convert_element_type3A_104 = arith.extui %lt3A_103 : i1 to i32
    %cond3A_105 = arith.constant 0 : i32
    %cond3A_106 = arith.cmpi ne, %convert_element_type3A_104, %cond3A_105 : i32
    scf.if %cond3A_106 {
      "tpu.region"() ({
        %run_scoped3A = tpu.sem_alloc : memref<!tpu.dma_semaphore, #tpu.memory_space<semaphore_mem>>
        %dma_start3A_112 = arith.constant 0 : i32
        %dma_start3A_113 = tpu.memref_slice %arg5[%arg0, %mul3A_34, %dma_start3A_112] : memref<2x10008x128xf32, #tpu.memory_space<hbm>> -> memref<1x632x128xf32, #tpu.memory_space<hbm>>
        %dma_start3A_114 = tpu.memref_squeeze %dma_start3A_113 : memref<1x632x128xf32, #tpu.memory_space<hbm>> -> memref<632x128xf32, #tpu.memory_space<hbm>>
        %dma_start3A_115 = arith.constant 0 : i32
        %dma_start3A_116 = tpu.memref_slice %arg15[%mul3A_34, %dma_start3A_115] : memref<10008x128xf32, #tpu.memory_space<vmem_shared>> -> memref<632x128xf32, #tpu.memory_space<vmem_shared>>
        tpu.enqueue_dma source(%dma_start3A_116 : memref<632x128xf32, #tpu.memory_space<vmem_shared>>) target(%dma_start3A_114 : memref<632x128xf32, #tpu.memory_space<hbm>>) target_semaphore(%run_scoped3A : memref<!tpu.dma_semaphore, #tpu.memory_space<semaphore_mem>>)
        %dma_wait3A_117 = arith.constant 0 : i32
        %dma_wait3A_118 = tpu.memref_slice %arg5[%arg0, %mul3A_34, %dma_wait3A_117] : memref<2x10008x128xf32, #tpu.memory_space<hbm>> -> memref<1x632x128xf32, #tpu.memory_space<hbm>>
        %dma_wait3A_119 = tpu.memref_squeeze %dma_wait3A_118 : memref<1x632x128xf32, #tpu.memory_space<hbm>> -> memref<632x128xf32, #tpu.memory_space<hbm>>
        %dma_wait3A_120 = arith.constant 0 : i32
        %dma_wait3A_121 = tpu.memref_slice %arg15[%mul3A_34, %dma_wait3A_120] : memref<10008x128xf32, #tpu.memory_space<vmem_shared>> -> memref<632x128xf32, #tpu.memory_space<vmem_shared>>
        tpu.wait_dma2 semaphore(%run_scoped3A : memref<!tpu.dma_semaphore, #tpu.memory_space<semaphore_mem>>) src(%dma_wait3A_121 : memref<632x128xf32, #tpu.memory_space<vmem_shared>>) dst(%dma_wait3A_119 : memref<632x128xf32, #tpu.memory_space<hbm>>)
        tpu.yield
      }) : () -> ()
    } else {
    }
    %eq3A_107 = arith.constant 15 : i32
    %eq3A_108 = arith.cmpi eq, %arg1, %eq3A_107 : i32
    %convert_element_type3A_109 = arith.extui %eq3A_108 : i1 to i32
    %cond3A_110 = arith.constant 0 : i32
    %cond3A_111 = arith.cmpi ne, %convert_element_type3A_109, %cond3A_110 : i32
    scf.if %cond3A_111 {
      "tpu.region"() ({
        %run_scoped3A = tpu.sem_alloc : memref<!tpu.dma_semaphore, #tpu.memory_space<semaphore_mem>>
        %dma_start3A_112 = arith.constant 9480 : i32
        %dma_start3A_113 = arith.constant 0 : i32
        %dma_start3A_114 = tpu.memref_slice %arg5[%arg0, %dma_start3A_112, %dma_start3A_113] : memref<2x10008x128xf32, #tpu.memory_space<hbm>> -> memref<1x528x128xf32, #tpu.memory_space<hbm>>
        %dma_start3A_115 = tpu.memref_squeeze %dma_start3A_114 : memref<1x528x128xf32, #tpu.memory_space<hbm>> -> memref<528x128xf32, #tpu.memory_space<hbm>>
        %dma_start3A_116 = arith.constant 9480 : i32
        %dma_start3A_117 = arith.constant 0 : i32
        %dma_start3A_118 = tpu.memref_slice %arg15[%dma_start3A_116, %dma_start3A_117] : memref<10008x128xf32, #tpu.memory_space<vmem_shared>> -> memref<528x128xf32, #tpu.memory_space<vmem_shared>>
        tpu.enqueue_dma source(%dma_start3A_118 : memref<528x128xf32, #tpu.memory_space<vmem_shared>>) target(%dma_start3A_115 : memref<528x128xf32, #tpu.memory_space<hbm>>) target_semaphore(%run_scoped3A : memref<!tpu.dma_semaphore, #tpu.memory_space<semaphore_mem>>)
        %dma_wait3A_119 = arith.constant 9480 : i32
        %dma_wait3A_120 = arith.constant 0 : i32
        %dma_wait3A_121 = tpu.memref_slice %arg5[%arg0, %dma_wait3A_119, %dma_wait3A_120] : memref<2x10008x128xf32, #tpu.memory_space<hbm>> -> memref<1x528x128xf32, #tpu.memory_space<hbm>>
        %dma_wait3A_122 = tpu.memref_squeeze %dma_wait3A_121 : memref<1x528x128xf32, #tpu.memory_space<hbm>> -> memref<528x128xf32, #tpu.memory_space<hbm>>
        %dma_wait3A_123 = arith.constant 9480 : i32
        %dma_wait3A_124 = arith.constant 0 : i32
        %dma_wait3A_125 = tpu.memref_slice %arg15[%dma_wait3A_123, %dma_wait3A_124] : memref<10008x128xf32, #tpu.memory_space<vmem_shared>> -> memref<528x128xf32, #tpu.memory_space<vmem_shared>>
        tpu.wait_dma2 semaphore(%run_scoped3A : memref<!tpu.dma_semaphore, #tpu.memory_space<semaphore_mem>>) src(%dma_wait3A_125 : memref<528x128xf32, #tpu.memory_space<vmem_shared>>) dst(%dma_wait3A_122 : memref<528x128xf32, #tpu.memory_space<hbm>>)
        tpu.yield
      }) : () -> ()
    } else {
    }
    return
  }
}

module attributes {stable_mosaic.version = 14 : i64} {
  func.func @_linear_body(%arg0: i32, %arg1: memref<2x2000x128xf32, #tpu.memory_space<vmem>>, %arg2: memref<128x128xf32, #tpu.memory_space<vmem>>, %arg3: memref<1x128xf32, #tpu.memory_space<vmem>>, %arg4: memref<2000x128xf32, #tpu.memory_space<vmem>>) attributes {dimension_semantics = [#tpu.dimension_semantics<arbitrary>], iteration_bounds = array<i64: 5>, scalar_prefetch = 0 : i64, scratch_operands = 0 : i64, tpu.core_type = #tpu.core_type<tc>, window_params = [{transform_indices = @transform_0, window_bounds = array<i64: 2, 2000, 128>}, {pipeline_mode = #tpu.pipeline_mode<synchronous>, transform_indices = @transform_1, window_bounds = array<i64: 128, 128>}, {pipeline_mode = #tpu.pipeline_mode<synchronous>, transform_indices = @transform_2, window_bounds = array<i64: 1, 128>}, {transform_indices = @transform_3, window_bounds = array<i64: 2000, 128>}]} {
    %get3A = arith.constant 0 : index
    %get3A_0 = arith.constant 0 : index
    %get3A_1 = arith.constant 0 : index
    %get3A_2 = vector.load %arg1[%get3A, %get3A_0, %get3A_1] : memref<2x2000x128xf32, #tpu.memory_space<vmem>>, vector<1x2000x128xf32>
    %get3A_3 = vector.shape_cast %get3A_2 : vector<1x2000x128xf32> to vector<2000x128xf32>
    %get3A_4 = arith.constant 1 : index
    %get3A_5 = arith.constant 0 : index
    %get3A_6 = arith.constant 0 : index
    %get3A_7 = vector.load %arg1[%get3A_4, %get3A_5, %get3A_6] : memref<2x2000x128xf32, #tpu.memory_space<vmem>>, vector<1x2000x128xf32>
    %get3A_8 = vector.shape_cast %get3A_7 : vector<1x2000x128xf32> to vector<2000x128xf32>
    %add3A = arith.addf %get3A_3, %get3A_8 : vector<2000x128xf32>
    %get3A_9 = arith.constant 0 : index
    %get3A_10 = arith.constant 0 : index
    %get3A_11 = vector.load %arg2[%get3A_9, %get3A_10] : memref<128x128xf32, #tpu.memory_space<vmem>>, vector<128x128xf32>
    %dot_general3A = arith.constant dense<0.000000e+00> : vector<2000x128xf32>
    %dot_general3A_12 = tpu.matmul %add3A, %get3A_11, %dot_general3A {dimension_numbers = #tpu.dot_dimension_numbers<[1], [1], [0], [0], [0, 0, 1, 0], [], []>, transpose_lhs_hint = false} : vector<2000x128xf32>, vector<128x128xf32>, vector<2000x128xf32> -> vector<2000x128xf32>
    %get3A_13 = arith.constant 0 : index
    %get3A_14 = arith.constant 0 : index
    %get3A_15 = vector.load %arg3[%get3A_13, %get3A_14] : memref<1x128xf32, #tpu.memory_space<vmem>>, vector<1x128xf32>
    %add3A_16 = vector.broadcast %get3A_15 : vector<1x128xf32> to vector<2000x128xf32>
    %add3A_17 = arith.addf %dot_general3A_12, %add3A_16 : vector<2000x128xf32>
    %swap3A = arith.constant 0 : index
    %swap3A_18 = arith.constant 0 : index
    %swap3A_19 = vector.load %arg4[%swap3A, %swap3A_18] : memref<2000x128xf32, #tpu.memory_space<vmem>>, vector<2000x128xf32>
    tpu.vector_store %arg4[%swap3A, %swap3A_18], %add3A_17 {strides = array<i32>} : memref<2000x128xf32, #tpu.memory_space<vmem>>, vector<2000x128xf32>,
    return
  }
  func.func @transform_0(%arg0: i32) -> (i32, i32, i32) {
    %c0_i32 = arith.constant 0 : i32
    %c0_i32_0 = arith.constant 0 : i32
    %c0_i32_1 = arith.constant 0 : i32
    return %c0_i32, %arg0, %c0_i32_0 : i32, i32, i32
  }
  func.func @transform_1(%arg0: i32) -> (i32, i32) {
    %c0_i32 = arith.constant 0 : i32
    %c0_i32_0 = arith.constant 0 : i32
    %c0_i32_1 = arith.constant 0 : i32
    return %c0_i32, %c0_i32_0 : i32, i32
  }
  func.func @transform_2(%arg0: i32) -> (i32, i32) {
    %c0_i32 = arith.constant 0 : i32
    %c0_i32_0 = arith.constant 0 : i32
    %c0_i32_1 = arith.constant 0 : i32
    return %c0_i32, %c0_i32_0 : i32, i32
  }
  func.func @transform_3(%arg0: i32) -> (i32, i32) {
    %c0_i32 = arith.constant 0 : i32
    %c0_i32_0 = arith.constant 0 : i32
    return %arg0, %c0_i32 : i32, i32
  }
}

</mosaic_0001>

<sc_bundles>
// kernel: kernel.4.cloned.1.call-start
scs
__scs_entry_jumppad:
0x0: {  	(pc) =	sbr.rel $0x88, $3  }
0x1: {  	(tag) =	ssettag $0x0;
	lr =	simm.s32 $0x1  }
0x2: {  	[smem:$0x3F9D] =	sst lr;
	_ =	strace $0xD0000000  }
0x3: {  	_ = 	snop  }
0x4: {  	_ = 	snop  }
0x5: {  	_ = 	snop  }
0x6: {  	_ = 	snop  }
0x7: {  	_ = 	snop  }
__scs_overlays_trampoline_lowered:
0x8: {  	[smem:$0x3FAC] =	sst s0  }
0x9: {  	[smem:$0x3FAD] =	sst s1  }
0xa: {  	[smem:$0x3FAE] =	sst s2  }
0xb: {  	[smem:$0x3FAF] =	sst s3  }
0xc: {  	[smem:$0x3FB0] =	sst s4  }
0xd: {  	[smem:$0x3FB1] =	sst s5  }
0xe: {  	[smem:$0x3FB2] =	sst s6  }
0xf: {  	[smem:$0x3FB3] =	sst s7  }
0x10: {  	[smem:$0x3FB4] =	sst s8  }
0x11: {  	[smem:$0x3FB5] =	sst s9;
	s0 =	simm.s32 @!p0 $0x0  }
0x12: {  	s1 =	sld [smem:$0x3F9B];
	s0 =	simm.s32 @p0 $0x1  }
0x13: {  	[smem:$0x3FB6] =	sst s0;
	s0 =	simm.s32 @!p1 $0x0  }
0x14: {  	s2 =	sld [smem:$0x3F9A];
	s0 =	simm.s32 @p1 $0x1  }
0x15: {  	[smem:$0x3FB7] =	sst s0;
	s0 =	simm.s32 @!p2 $0x0  }
0x16: {  	s3 =	sld [smem:$0x3FDB];
	s0 =	simm.s32 @p2 $0x1  }
0x17: {  	s4 =	simm.s32 $0x1BF5;
	[smem:$0x3FB9] =	sst s0  }
0x18: {  	s0 =	sld [smem:$0x3F9C];
	_ =	swait.ge [sflag:s4], $0x0  }
0x19: {  	s7 =	sld [smem:$0x3F9D]  }
0x1a: {  	s8 =	sadd.s32 $0xFFFFE003, lr  }
0x1b: {  	s9 =	sadd.s32 $0xFFFFFEF7, lr;
	s5 =	simm.s32 $0xFFFFFFFF;
	p2 =	slt.u32 s8, $0xFFFFF086  }
0x1c: {  	p1 =	slt.u32 s9, $0xF7A;
	s5 =	simm.s32 @!p2 $0x0  }
0x1d: {  	s5 =	simm.s32 @p1 $0x1;
	p0 =	seq.s32 s7, s2  }
0x1e: {  	s7 =	smul.u32 @!p0 $0xF7A, s2;
	p2 =	seq.s32 @!p0 s5, $0x0  }
0x1f: {  	s9 =	smul.u32 $0xF7A, s1;
	s8 =	simm.s32 @!p0 $0x1BF5;
	p2 =	por !p2, p0  }
0x20: {  	[sflag:s8] =	ssyncset.s32 @!p0 $0xFFFFF086;
	s6 =	sadd.s32 @!p0 s3, s7;
	s7 =	simm.s32 @!p0 $0x108  }
0x21: {  	s3 =	sadd.s32 s3, s9;
	s6 =	sadd.s32 @!p0 $0x88, s6;
	s7 =	simm.s32 @p2 $0x1082  }
0x22: {  	[simem:s7], [sflag:s8] =	dma.local @!p0 [hbm:s6], $0xF7A  }
0x23: {  	s9 =	sor.u32 $0xD0000000, s2;
	s6 =	simm.s32 $0x108;
	_ =	swait.ge @!p0 [sflag:s8], $0x0  }
0x24: {  	s3 =	sadd.s32 $0x88, s3;
	s6 =	simm.s32 @!p1 $0x1082;
	[sflag:s4] =	ssyncset.s32 $0xFFFFF086  }
0x25: {  	[simem:s6], [sflag:s4] =	dma.local [hbm:s3], $0xF7A  }
0x26: {  	[smem:$0x3F9D] =	sst s1;
	(tag) =	ssettag s2;
	_ =	strace s9  }
0x27: {  	s1 =	sld [smem:$0x3FAD]  }
0x28: {  	s2 =	sld [smem:$0x3FAE]  }
0x29: {  	s4 =	sld [smem:$0x3FB0]  }
0x2a: {  	p0 =	seq.s32 s5, $0x0;
	s5 =	sld [smem:$0x3FB1]  }
0x2b: {  	s6 =	sld [smem:$0x3FB2]  }
0x2c: {  	s7 =	sld [smem:$0x3FB3]  }
0x2d: {  	s3 =	simm.s32 $0x108;
	s8 =	sld [smem:$0x3FB4]  }
0x2e: {  	s3 =	simm.s32 @!p0 $0x1082;
	s9 =	sld [smem:$0x3FB5]  }
0x2f: {  	lr =	sadd.s32 s0, s3;
	s0 =	sld [smem:$0x3FAC]  }
0x30: {  	s3 =	sld [smem:$0x3FAF]  }
0x31: {  	[smem:$0x3FB8] =	sst s10  }
0x32: {  	s10 =	sld [smem:$0x3FB6];
	_ =	sdelay $0x3  }
0x33: {  	p0 =	seq.s32 s10, $0x1;
	s10 =	sld [smem:$0x3FB8];
	_ =	sdelay $0x3  }
0x34: {  	[smem:$0x3FB8] =	sst s10  }
0x35: {  	s10 =	sld [smem:$0x3FB7];
	_ =	sdelay $0x3  }
0x36: {  	p1 =	seq.s32 s10, $0x1;
	s10 =	sld [smem:$0x3FB8];
	_ =	sdelay $0x3  }
0x37: {  	[smem:$0x3FB8] =	sst s10  }
0x38: {  	s10 =	sld [smem:$0x3FB9]  }
0x39: {  	_ = 	snop;
	(pc) =	sbr.ind lr, $3  }
0x3a: {  	_ = 	snop  }
0x3b: {  	_ = 	snop  }
0x3c: {  	p2 =	seq.s32 s10, $0x1;
	s10 =	sld [smem:$0x3FB8]  }
0x3d: {  	_ =	shalt  }
0x3e: {  	_ =	shalt  }
0x3f: {  	_ =	shalt  }
0x40: {  	_ =	shalt  }
0x41: {  	_ =	shalt  }
0x42: {  	_ =	shalt  }
0x43: {  	_ =	shalt  }
0x44: {  	_ =	shalt  }
0x45: {  	_ =	shalt  }
0x46: {  	_ =	shalt  }
0x47: {  	_ =	shalt  }
0x48: {  	_ =	shalt  }
0x49: {  	_ =	shalt  }
0x4a: {  	_ =	shalt  }
0x4b: {  	_ =	shalt  }
0x4c: {  	_ =	shalt  }
0x4d: {  	_ =	shalt  }
0x4e: {  	_ =	shalt  }
0x4f: {  	_ =	shalt  }
0x50: {  	_ =	shalt  }
0x51: {  	_ =	shalt  }
0x52: {  	_ =	shalt  }
0x53: {  	_ =	shalt  }
0x54: {  	_ =	shalt  }
0x55: {  	_ =	shalt  }
0x56: {  	_ =	shalt  }
0x57: {  	_ =	shalt  }
0x58: {  	_ =	shalt  }
0x59: {  	_ =	shalt  }
0x5a: {  	_ =	shalt  }
0x5b: {  	_ =	shalt  }
0x5c: {  	_ =	shalt  }
0x5d: {  	_ =	shalt  }
0x5e: {  	_ =	shalt  }
0x5f: {  	_ =	shalt  }
0x60: {  	_ =	shalt  }
0x61: {  	_ =	shalt  }
0x62: {  	_ =	shalt  }
0x63: {  	_ =	shalt  }
0x64: {  	_ =	shalt  }
0x65: {  	_ =	shalt  }
0x66: {  	_ =	shalt  }
0x67: {  	_ =	shalt  }
0x68: {  	_ =	shalt  }
0x69: {  	_ =	shalt  }
0x6a: {  	_ =	shalt  }
0x6b: {  	_ =	shalt  }
0x6c: {  	_ =	shalt  }
0x6d: {  	_ =	shalt  }
0x6e: {  	_ =	shalt  }
0x6f: {  	_ =	shalt  }
0x70: {  	_ =	shalt  }
0x71: {  	_ =	shalt  }
0x72: {  	_ =	shalt  }
0x73: {  	_ =	shalt  }
0x74: {  	_ =	shalt  }
0x75: {  	_ =	shalt  }
0x76: {  	_ =	shalt  }
0x77: {  	_ =	shalt  }
0x78: {  	_ =	shalt  }
0x79: {  	_ =	shalt  }
0x7a: {  	_ =	shalt  }
0x7b: {  	_ =	shalt  }
0x7c: {  	_ =	shalt  }
0x7d: {  	_ =	shalt  }
0x7e: {  	_ =	shalt  }
0x7f: {  	_ =	shalt  }
0x80: {  	_ =	shalt  }
0x81: {  	_ =	shalt  }
0x82: {  	_ =	shalt  }
0x83: {  	_ =	shalt  }
0x84: {  	_ =	shalt  }
0x85: {  	_ =	shalt  }
0x86: {  	_ =	shalt  }
0x87: {  	_ =	shalt  }
.Lfunc_end0:
.L_simem_size_0:
called_computation_lowered:
.L_overlay_start_0:
0x88: {  	s2 =	sld [smem:$0x3FD9]  }
0x89: {  	s3 =	sld [smem:$0x3FFE];
	_ =	sdelay $0x1  }
0x8a: {  	s1 =	srdreg.scid  }
0x8b: {  	s0 =	sand.u32 $0x1, s1  }
0x8c: {  	s17 =	sshll.u32 s0, $0xA;
	s2 =	sadd.s32 s3, s2  }
0x8d: {  	s2 =	sadd.s32 s2, s17  }
0x8e: {  	[smem:$0x3FC4] =	sst s2  }
0x8f: {  	_ = 	snop  }
0x90: {  	s2 =	sld [smem:$0x3FC9]  }
0x91: {  	s18 =	sld [smem:$0x3FC8]  }
0x92: {  	s4 =	sld [smem:$0x3FD0];
	(tm) =	ssettm $0x1  }
0x93: {  	s5 =	sld [smem:$0x3FFB];
	_ =	sdelay $0x3  }
0x94: {  	_ =	strace s5  }
0x95: {  	s5 =	sld [smem:$0x3FFC];
	_ =	sdelay $0x3  }
0x96: {  	_ =	strace s5  }
0x97: {  	s5 =	sld [smem:$0x3FFD];
	_ =	sdelay $0x3  }
0x98: {  	_ =	strace s5  }
0x99: {  	_ =	strace $0x8FFFFFFF  }
0x9a: {  	s19 =	sld [smem:$0x3FDB];
	_ =	sdelay $0x1  }
0x9b: {  	s6 =	simm.s32 $_scs_section_size  }
0x9c: {  	s7 =	simm.s32 $_size__tile_overlayer_lowered;
	s8 =	simm.s32 $_tile_overlayer_lowered  }
0x9d: {  	s22 =	simm.s32 $0x1BFF;
	s21 =	sshll.u32 s8, $0x1;
	s5 =	sadd.s32 s6, s19  }
0x9e: {  	s9 =	simm.s32 $0x0;
	s20 =	sshll.u32 s7, $0x1;
	s7 =	sadd.s32 s21, s5  }
0x9f: {  	[timem:s9], [sflag:s22] =	dma.local [hbm:s7], s20  }
0xa0: {  	_ =	swait.ge [sflag:s22], s20  }
0xa1: {  	s6 =	ssub.s32 $0x0, s20;
	[sflag:s22] =	ssyncset.done $0x0  }
0xa2: {  	[sflag:s22] =	ssyncadd.s32 s6;
	_ =	sdelay $0x1  }
0xa3: {  	s23 =	simm.s32 $0x1B8B  }
0xa4: {  	_ =	swait.ge [sflag:s23], $0x1  }
0xa5: {  	[sflag:s23] =	ssyncset.done $0x0  }
0xa6: {  	s25 =	simm.s32 $0x1B8E;
	s24 =	sld [smem:$0x3FFE];
	[sflag:s23] =	ssyncadd.s32 $0xFFFFFFFF  }
0xa7: {  	s26 =	simm.s32 $execute0_lowered;
	[smem:$0x3FD2] =	sst s25  }
0xa8: {  	s7 =	sshll.u32 s26, $0x1;
	_ =	strace $0x80000046;
	[dreg:$0x1] =	wrdreg $0xFFFFFFFF  }
0xa9: {  	s28 =	simm.s32 $_size_execute0_lowered;
	s5 =	sadd.s32 s5, s7;
	[dreg:$0x0] =	wrdreg $0x0  }
0xaa: {  	s7 =	sshll.u32 s28, $0x1;
	[dreg:$0x2] =	wrdreg s5  }
0xab: {  	[dreg:$0x3] =	wrdreg s7  }
0xac: {  	[dreg:$0x4] =	wrdreg $0xC0  }
0xad: {  	_ =	task [dreg:s9], $0x5FFFF  }
0xae: {  	[dreg:$0x1] =	wrdreg $0xFFFFFFFF  }
0xaf: {  	[dreg:$0x0] =	wrdreg $0x60  }
0xb0: {  	[dreg:$0x2] =	wrdreg s2  }
0xb1: {  	[dreg:$0x3] =	wrdreg s18  }
0xb2: {  	[dreg:$0x4] =	wrdreg s4  }
0xb3: {  	[dreg:$0x5] =	wrdreg s24  }
0xb4: {  	[dreg:$0x6] =	wrdreg $0xC6000  }
0xb5: {  	[dreg:$0x7] =	wrdreg $0x9  }
0xb6: {  	_ =	task.clear_ibuf [dreg:s9], $0x8FFFF;
	_ =	strace $0x90000046  }
0xb7: {  	s29 =	simm.s32 $0x9;
	_ =	strace $0x80000048  }
0xb8: {  	_ =	swait.ge [sflag:s29], $0x1  }
0xb9: {  	[sflag:s29] =	ssyncadd.s32 $0xFFFFFFFF  }
0xba: {  	_ =	strace $0x90000048  }
0xbb: {  	_ =	sfence  }
0xbc: {  	s30 =	sld [smem:$0x0];
	_ =	sdelay $0x2  }
0xbd: {  	s31 =	sshll.u32 s1, $0xD;
	s1 =	sshrl.u32 s1, $0x2  }
0xbe: {  	s3 =	sand.u32 $0x4000, s31;
	s1 =	sadd.s32 s1, s30  }
0xbf: {  	s0 =	sor.u32 s3, s0;
	s1 =	sshll.u32 s1, $0x11  }
0xc0: {  	s0 =	sor.u32 s1, s0  }
0xc1: {  	s0 =	sadd.s32 $0x8F2B, s0  }
0xc2: {  	[sflag:s0] =	ssyncadd.remote.s32 $0x1  }
0xc3: {  	_ =	sfence.sel $0xFFFF  }
0xc4: {  	[dreg:$0x0] =	wrdreg $0xFFFFFFFF;
	(pc) =	sbr.abs _section_cstart, $3  }
0xc5: {  	[dreg:$0x1] =	wrdreg $0xFFFFFFFF  }
0xc6: {  	_ =	task.clear_ibuf [dreg:s9], $0x2FFFF;
	_ =	strace $0x9FFFFFFF  }
0xc7: {  	(tm) =	ssettm $0x7FFFFFFF  }
tec
execute0_lowered:
.L_overlay_start_1:
0x0: {  	(tag) =	ssettag $0x1  }
0x1: {  	s1 =	rddreg [dreg:$0x0]  }
0x2: {  	s0 =	rddreg [dreg:$0x1]  }
0x3: {  	s2 =	rddreg [dreg:$0x3]  }
0x4: {  	s4 =	rddreg [dreg:$0x4];
	s11 =	stileid.u32  }
0x5: {  	s5 =	simm.s32 $0x0;
	s7 =	srdreg.scid;
	s21 =	simm.s32 $0x1  }
0x6: {  	s3 =	smin.u32 s11, $0x4;
	[smem:$0x7FF] =	sst s5;
	s9 =	smul.u32 $0x4D, s11  }
0x7: {  	s6 =	smax.u32 s11, $0x4;
	s8 =	sand.u32 $0x1, s7;
	s24 =	smul.u32 $0x4F000, s11  }
0x8: {  	s2 =	sadd.s32 $0xA00, s2;
	p1 =	slt.u32 s11, $0x4;
	s14 =	smul.u32 $0x13C00, s11  }
0x9: {  	s28 =	sadd.s32 $0x128400, s4;
	p2 =	seq.s32 s11, $0xF;
	s3 =	smul.u32 $0x50, s3  }
0xa: {  	s6 =	smul.u32 $0x4F, s6;
	_ =	strace $0x80000047;
	s7 =	ssub.s32 $0x2, s8  }
0xb: {  	p0 =	seq.s32 s8, $0x0;
	s8 =	smul.u32 $0x138C00, s8;
	s22 =	sshrl.u32 s7, $0x1  }
0xc: {  	[dreg:$0xb] =	wrdreg s28;
	s3 =	sadd.s32 s3, s6;
	s10 =	ssub.s32 s7, s22  }
0xd: {  	s6 =	simm.s32 $0x50;
	s29 =	sadd.s32 s14, s8;
	s3 =	sadd.s32 $0x394, s3  }
0xe: {  	s6 =	simm.s32 @!p1 $0x4F;
	s31 =	smax.u32 s10, $0x1;
	s3 =	smov.u32 @p0 s9  }
0xf: {  	s6 =	simm.s32 @p0 $0x4D;
	s9 =	sshrl.u32 s24, $0x2;
	[dreg:$0xe] =	wrdreg s31  }
0x10: {  	s3 =	sshll.u32 s3, $0x5;
	s9 =	sadd.s32 s9, s4;
	s30 =	sadd.s32 $0xFFFFFFFF, s6  }
0x11: {  	s23 =	sand.u32 $0x1FFFFFE0, s3;
	[dreg:$0xa] =	wrdreg s9;
	s9 =	sshrl.u32 s29, $0x3  }
0x12: {  	[dreg:$0x6] =	wrdreg s30;
	s7 =	sadd.s32 s0, s23;
	s9 =	sadd.s32 s2, s9  }
0x13: {  	s8 =	sshrl.u32 s8, $0x3;
	s12 =	sadd.s32 $0x20, s7;
	[dreg:$0xc] =	wrdreg s9  }
0x14: {  	s2 =	sadd.s32 s2, s8;
	s25 =	sadd.s32 $0x40, s7;
	[dreg:$0x7] =	wrdreg s12  }
0x15: {  	s24 =	simm.s32 $0x0;
	s2 =	sadd.s32 $0x25080, s2;
	[dreg:$0x8] =	wrdreg s25  }
0x16: {  	s26 =	sadd.s32 $0x60, s7;
	[dreg:$0xd] =	wrdreg s2;
	s2 =	simm.s32 @!p2 $0x0  }
0x17: {  	s0 =	sadd.s32 s3, s0;
	[dreg:$0x9] =	wrdreg s26;
	s2 =	simm.s32 @p2 $0x1  }
0x18: {  	s13 =	sadd.s32 $0x1, s6;
	s0 =	sadd.s32 $0x120, s0;
	[smem:$0x7FD] =	sst s2  }
.LBB2_1:
0x19: {  	[tilespmem:s5], [sflag:$0x1] =	stream.linear.gather [hbm4b:s7+s5], $0x100, $0x38;
	[tilespmem:$0x1FEC0] =	vst v63  }
0x1a: {  	s2 =	rddreg [dreg:$0x7];
	s3 =	simm.s32 $0x100  }
0x1b: {  	[tilespmem:s3], [sflag:$0x2] =	stream.linear.gather [hbm4b:s2+s5], $0x100, $0x38;
	[tilespmem:$0x1FEC0] =	vst v63  }
0x1c: {  	s16 =	rddreg [dreg:$0x8];
	s17 =	simm.s32 $0x200  }
0x1d: {  	[tilespmem:s17], [sflag:$0x3] =	stream.linear.gather [hbm4b:s16+s5], $0x100, $0x38;
	[tilespmem:$0x1FEC0] =	vst v63  }
0x1e: {  	s18 =	rddreg [dreg:$0x9];
	s19 =	simm.s32 $0x300  }
0x1f: {  	[tilespmem:s19], [sflag:$0x4] =	stream.linear.gather [hbm4b:s18+s5], $0x100, $0x38;
	[tilespmem:$0x1FEC0] =	vst v63  }
0x20: {  	_ =	swait.ge [sflag:s21], $0x100  }
0x21: {  	s20 =	simm.s32 $0x80;
	[sflag:s21] =	ssyncset.done $0x0  }
0x22: {  	s22 =	simm.s32 $0x600;
	s2 =	rddreg [dreg:$0xb];
	[sflag:s21] =	ssyncadd.s32 $0xFFFFFF00  }
0x23: {  	[tilespmem:s22], [sflag:$0x7] =	stream.indirect.gather [hbm4b:s1+s20], $0x80, s5, s20, $0xb8;
	[tilespmem:$0x1FEC0] =	vst v63  }
0x24: {  	s25 =	sshrl.u32 @p2 s2, $0x3;
	s2 =	simm.s32 @p2 $0x1FCD;
	s8 =	rddreg [dreg:$0x2]  }
0x25: {  	[spmem:s25], [sflag:s2] =	dma.local @p2 [hbm:s8], $0x2100  }
0x26: {  	s2 =	simm.s32 @p2 $0xD  }
0x27: {  	_ =	swait.ge @p2 [sflag:s2], $0x2100  }
0x28: {  	s3 =	stileid.u32;
	[sflag:s2] =	ssyncset.done @p2 $0x0  }
0x29: {  	s3 =	sshll.u32 @!p2 s3, $0x6;
	[sflag:s2] =	ssyncadd.s32 @p2 $0xFFFFDF00;
	s2 =	rddreg [dreg:$0xa]  }
0x2a: {  	s26 =	sor.u32 @!p2 $0x1C0D, s3;
	s28 =	sshrl.u32 @!p2 s2, $0x3;
	s2 =	simm.s32 @!p2 $0xD  }
0x2b: {  	[spmem:s28], [sflag:s26] =	dma.local @!p2 [hbm:s8], $0x2780  }
0x2c: {  	p1 =	por $0x1, $0x1;
	_ =	swait.ge @!p2 [sflag:s2], $0x2780  }
0x2d: {  	p0 =	slt.u32 @!p1 s13, $0x0;
	[sflag:s2] =	ssyncset.done @!p2 $0x0  }
0x2e: {  	[sflag:s2] =	ssyncadd.s32 @!p2 $0xFFFFD880;
	p2 =	por p0, p1  }
0x2f: {  	[bflag:$0x0] =	sbarrier.arrive $0xFFFF;
	s2 =	simm.s32 @!p2 $0xB  }
0x30: {  	_ =	swait.ge @!p2 [sflag:s2], $0x4000  }
0x31: {  	s23 =	rddreg [dreg:$0x6]  }
0x32: {  	[sflag:s2] =	ssyncset.done @!p2 $0x0;
	p0 =	sle.u32 s23, $0x0  }
0x33: {  	p3 =	sle.u32 s6, $0x0;
	[sflag:s2] =	ssyncadd.s32 @!p2 $0xFFFFC000;
	s2 =	simm.s32 @!p0 $0x2  }
0x34: {  	s3 =	simm.s32 @!p3 $0x7;
	_ =	swait.ge @!p0 [sflag:s2], $0x100  }
0x35: {  	p2 =	slt.u32 @!p1 s6, $0x0;
	s8 =	simm.s32 @!p0 $0x80;
	[sflag:s2] =	ssyncset.done @!p0 $0x0  }
0x36: {  	s9 =	simm.s32 @!p0 $0x100;
	s10 =	simm.s32 @!p0 $0x4600;
	[sflag:s2] =	ssyncadd.s32 @!p0 $0xFFFFFF00  }
0x37: {  	[tilespmem:s10], [sflag:$0x8] =	stream.indirect.gather @!p0 [hbm4b:s1+s8], $0x80, s9, s8, $0xb8;
	[tilespmem:$0x1FEC0] =	vst v63  }
0x38: {  	p1 =	por p2, p1;
	p2 =	sle.u32 s6, $0x4;
	_ =	swait.ge @!p3 [sflag:s3], $0x4000  }
0x39: {  	s17 =	sadd.s32 @!p2 $0xFFFFFF60, s0;
	[sflag:s3] =	ssyncset.done @!p3 $0x0  }
0x3a: {  	s2 =	simm.s32 @!p3 $0x600;
	s9 =	simm.s32 @!p3 $0x80;
	[sflag:s3] =	ssyncadd.s32 @!p3 $0xFFFFC000  }
0x3b: {  	[spmem:s4] =	stream.indirect.scatter.add.f32 @!p3 [tilespmem:s2], [sflag:$0xA], $0x80, s9, s9, $0xb8;
	[tilespmem:$0x1FEC0] =	vst v63  }
0x3c: {  	s3 =	simm.s32 @!p1 $0xC;
	s2 =	simm.s32 @!p2 $0x0;
	s9 =	simm.s32 @!p2 $0x400  }
0x3d: {  	[tilespmem:s9], [sflag:$0x5] =	stream.linear.gather @!p2 [hbm4b:s17+s2], $0x100, $0x38;
	[tilespmem:$0x1FEC0] =	vst v63  }
0x3e: {  	_ =	swait.ge @!p1 [sflag:s3], $0x4000  }
0x3f: {  	p4 =	sle.u32 s6, $0x2;
	[sflag:s3] =	ssyncset.done @!p1 $0x0  }
0x40: {  	s2 =	simm.s32 @!p4 $0x3;
	[sflag:s3] =	ssyncadd.s32 @!p1 $0xFFFFC000  }
0x41: {  	_ =	swait.ge @!p4 [sflag:s2], $0x100  }
0x42: {  	s18 =	simm.s32 @!p4 $0x8600;
	s19 =	simm.s32 @!p0 $0x8;
	[sflag:s2] =	ssyncset.done @!p4 $0x0  }
0x43: {  	s17 =	simm.s32 @!p4 $0x80;
	s3 =	simm.s32 @!p4 $0x200;
	[sflag:s2] =	ssyncadd.s32 @!p4 $0xFFFFFF00  }
0x44: {  	[tilespmem:s18], [sflag:$0x9] =	stream.indirect.gather @!p4 [hbm4b:s1+s17], $0x80, s3, s17, $0xb8;
	[tilespmem:$0x1FEC0] =	vst v63  }
0x45: {  	_ =	swait.ge @!p0 [sflag:s19], $0x4000  }
0x46: {  	p3 =	slt.u32 s13, $0x2;
	p1 =	sle.u32 s6, $0x5;
	[sflag:s19] =	ssyncset.done @!p0 $0x0  }
0x47: {  	s2 =	sadd.s32 @!p1 $0xFFFFFF80, s0;
	s3 =	simm.s32 @!p0 $0x180;
	[sflag:s19] =	ssyncadd.s32 @!p0 $0xFFFFC000  }
0x48: {  	[spmem:s4] =	stream.indirect.scatter.add.f32 @!p0 [tilespmem:s10], [sflag:$0xB], $0x80, s3, s8, $0xb8;
	[tilespmem:$0x1FEC0] =	vst v63  }
0x49: {  	s3 =	simm.s32 @!p1 $0x0;
	s8 =	simm.s32 @!p1 $0x500;
	s10 =	simm.s32 @!p3 $0xA  }
0x4a: {  	[tilespmem:s8], [sflag:$0x6] =	stream.linear.gather @!p1 [hbm4b:s2+s3], $0x100, $0x38;
	[tilespmem:$0x1FEC0] =	vst v63  }
0x4b: {  	_ =	swait.ge @!p3 [sflag:s10], $0x4000  }
0x4c: {  	p0 =	sle.u32 s6, $0x3;
	[sflag:s10] =	ssyncset.done @!p3 $0x0  }
0x4d: {  	s2 =	simm.s32 @!p0 $0x4;
	[sflag:s10] =	ssyncadd.s32 @!p3 $0xFFFFC000  }
0x4e: {  	_ =	swait.ge @!p0 [sflag:s2], $0x100  }
0x4f: {  	s19 =	simm.s32 @!p0 $0x300;
	s3 =	simm.s32 @!p0 $0x600;
	[sflag:s2] =	ssyncset.done @!p0 $0x0  }
0x50: {  	s10 =	simm.s32 @!p0 $0x80;
	[sflag:s2] =	ssyncadd.s32 @!p0 $0xFFFFFF00;
	s2 =	simm.s32 @!p4 $0x9  }
0x51: {  	[tilespmem:s3], [sflag:$0x7] =	stream.indirect.gather @!p0 [hbm4b:s1+s10], $0x80, s19, s10, $0xb8;
	[tilespmem:$0x1FEC0] =	vst v63  }
0x52: {  	_ =	swait.ge @!p4 [sflag:s2], $0x4000  }
0x53: {  	p5 =	slt.u32 s13, $0x3;
	[sflag:s2] =	ssyncset.done @!p4 $0x0  }
0x54: {  	p3 =	sle.u32 s6, $0x6;
	s19 =	simm.s32 @!p4 $0x280;
	[sflag:s2] =	ssyncadd.s32 @!p4 $0xFFFFC000  }
0x55: {  	[spmem:s4] =	stream.indirect.scatter.add.f32 @!p4 [tilespmem:s18], [sflag:$0xC], $0x80, s19, s17, $0xb8;
	[tilespmem:$0x1FEC0] =	vst v63  }
0x56: {  	s20 =	simm.s32 @!p3 $0x0;
	s2 =	sadd.s32 @!p3 $0xFFFFFFA0, s0;
	s17 =	simm.s32 @!p5 $0xB  }
0x57: {  	[tilespmem:s20], [sflag:$0x1] =	stream.linear.gather @!p3 [hbm4b:s2+s20], $0x100, $0x38;
	[tilespmem:$0x1FEC0] =	vst v63  }
0x58: {  	_ =	swait.ge @!p5 [sflag:s17], $0x4000  }
0x59: {  	[sflag:s17] =	ssyncset.done @!p5 $0x0  }
0x5a: {  	s2 =	simm.s32 @!p2 $0x5;
	[sflag:s17] =	ssyncadd.s32 @!p5 $0xFFFFC000  }
0x5b: {  	_ =	swait.ge @!p2 [sflag:s2], $0x100  }
0x5c: {  	s18 =	simm.s32 @!p2 $0x4600;
	[sflag:s2] =	ssyncset.done @!p2 $0x0  }
0x5d: {  	s19 =	simm.s32 @!p0 $0x7;
	s17 =	simm.s32 @!p2 $0x80;
	[sflag:s2] =	ssyncadd.s32 @!p2 $0xFFFFFF00  }
0x5e: {  	[tilespmem:s18], [sflag:$0x8] =	stream.indirect.gather @!p2 [hbm4b:s1+s17], $0x80, s9, s17, $0xb8;
	[tilespmem:$0x1FEC0] =	vst v63  }
0x5f: {  	_ =	swait.ge @!p0 [sflag:s19], $0x4000  }
0x60: {  	p4 =	sle.u32 s6, $0x7;
	p5 =	slt.u32 s13, $0x4;
	[sflag:s19] =	ssyncset.done @!p0 $0x0  }
0x61: {  	s2 =	sadd.s32 @!p4 $0xFFFFFFC0, s0;
	s9 =	simm.s32 @!p0 $0x380;
	[sflag:s19] =	ssyncadd.s32 @!p0 $0xFFFFC000  }
0x62: {  	[spmem:s4] =	stream.indirect.scatter.add.f32 @!p0 [tilespmem:s3], [sflag:$0xA], $0x80, s9, s10, $0xb8;
	[tilespmem:$0x1FEC0] =	vst v63  }
0x63: {  	s3 =	simm.s32 @!p4 $0x0;
	s9 =	simm.s32 @!p5 $0xC;
	s10 =	simm.s32 @!p4 $0x100  }
0x64: {  	[tilespmem:s10], [sflag:$0x2] =	stream.linear.gather @!p4 [hbm4b:s2+s3], $0x100, $0x38;
	[tilespmem:$0x1FEC0] =	vst v63  }
0x65: {  	_ =	swait.ge @!p5 [sflag:s9], $0x4000  }
0x66: {  	[sflag:s9] =	ssyncset.done @!p5 $0x0  }
0x67: {  	s30 =	simm.s32 $0x6;
	s2 =	simm.s32 @!p1 $0x6;
	[sflag:s9] =	ssyncadd.s32 @!p5 $0xFFFFC000  }
0x68: {  	s29 =	sadd.s32 $0xC0, s0;
	s31 =	simm.s32 $0xC;
	_ =	swait.ge @!p1 [sflag:s2], $0x100  }
0x69: {  	s23 =	simm.s32 @!p1 $0x80;
	p0 =	sle.u32 s6, $0x8;
	[sflag:s2] =	ssyncset.done @!p1 $0x0  }
0x6a: {  	s3 =	simm.s32 @!p1 $0x8600;
	s9 =	simm.s32 @!p2 $0x8;
	[sflag:s2] =	ssyncadd.s32 @!p1 $0xFFFFFF00  }
0x6b: {  	[tilespmem:s3], [sflag:$0x9] =	stream.indirect.gather @!p1 [hbm4b:s1+s23], $0x80, s8, s23, $0xb8;
	[tilespmem:$0x1FEC0] =	vst v63  }
0x6c: {  	s19 =	simm.s32 $0xC;
	s22 =	sadd.s32 @!p0 $0xFFFFFFE0, s0;
	_ =	swait.ge @!p2 [sflag:s9], $0x4000  }
0x6d: {  	s10 =	simm.s32 @!p0 $0x0;
	p5 =	slt.u32 s13, $0x5;
	[sflag:s9] =	ssyncset.done @!p2 $0x0  }
0x6e: {  	s2 =	simm.s32 @!p5 $0xA;
	s8 =	simm.s32 @!p2 $0x480;
	[sflag:s9] =	ssyncadd.s32 @!p2 $0xFFFFC000  }
0x6f: {  	[spmem:s4] =	stream.indirect.scatter.add.f32 @!p2 [tilespmem:s18], [sflag:$0xB], $0x80, s8, s17, $0xb8;
	[tilespmem:$0x1FEC0] =	vst v63  }
0x70: {  	s8 =	simm.s32 @!p0 $0x200;
	s18 =	simm.s32 $0x0;
	s17 =	smov.u32 s0  }
.LBB2_2:
0x71: {  	[tilespmem:s8], [sflag:$0x3] =	stream.linear.gather @!p0 [hbm4b:s22+s10], $0x100, $0x38;
	[tilespmem:$0x1FEC0] =	vst v63  }
0x72: {  	_ =	swait.ge @!p5 [sflag:s2], $0x4000  }
0x73: {  	[sflag:s2] =	ssyncset.done @!p5 $0x0  }
0x74: {  	s10 =	simm.s32 @!p3 $0x1;
	[sflag:s2] =	ssyncadd.s32 @!p5 $0xFFFFC000  }
0x75: {  	_ =	swait.ge @!p3 [sflag:s10], $0x100  }
0x76: {  	s9 =	simm.s32 @!p1 $0x9;
	[sflag:s10] =	ssyncset.done @!p3 $0x0  }
0x77: {  	s22 =	simm.s32 @!p3 $0x600;
	s2 =	simm.s32 @!p3 $0x80;
	[sflag:s10] =	ssyncadd.s32 @!p3 $0xFFFFFF00  }
0x78: {  	[tilespmem:s22], [sflag:$0x7] =	stream.indirect.gather @!p3 [hbm4b:s1+s2], $0x80, s20, s2, $0xb8;
	[tilespmem:$0x1FEC0] =	vst v63  }
0x79: {  	_ =	swait.ge @!p1 [sflag:s9], $0x4000  }
0x7a: {  	p0 =	seq.s32 s30, $0x0;
	s14 =	sadd.s32 $0x9, s18;
	[sflag:s9] =	ssyncset.done @!p1 $0x0  }
0x7b: {  	p5 =	sgt.u32 @!p0 s30, s13;
	s10 =	simm.s32 @!p1 $0x580;
	[sflag:s9] =	ssyncadd.s32 @!p1 $0xFFFFC000  }
0x7c: {  	[spmem:s4] =	stream.indirect.scatter.add.f32 @!p1 [tilespmem:s3], [sflag:$0xC], $0x80, s10, s23, $0xb8;
	[tilespmem:$0x1FEC0] =	vst v63  }
0x7d: {  	p3 =	por p5, p0;
	p1 =	sge.u32 s14, s6  }
0x7e: {  	s20 =	simm.s32 @!p3 $0xB;
	s2 =	simm.s32 @!p1 $0x0;
	s8 =	simm.s32 @!p1 $0x300  }
0x7f: {  	[tilespmem:s8], [sflag:$0x4] =	stream.linear.gather @!p1 [hbm4b:s17+s2], $0x100, $0x38;
	[tilespmem:$0x1FEC0] =	vst v63  }
0x80: {  	_ =	swait.ge @!p3 [sflag:s20], $0x4000  }
0x81: {  	s18 =	smov.u32 s30;
	[sflag:s20] =	ssyncset.done @!p3 $0x0;
	s15 =	rddreg [dreg:$0x6]  }
0x82: {  	[sflag:s20] =	ssyncadd.s32 @!p3 $0xFFFFC000;
	p3 =	sge.u32 s18, s15  }
0x83: {  	s12 =	smov.u32 s19;
	p4 =	sgt.u32 @!p0 s30, s6;
	s10 =	simm.s32 @!p3 $0x2  }
0x84: {  	p6 =	sge.u32 s18, s6;
	s30 =	smov.u32 s12;
	_ =	swait.ge @!p3 [sflag:s10], $0x100  }
0x85: {  	s3 =	simm.s32 @!p6 $0x7;
	s20 =	simm.s32 @!p3 $0x80;
	[sflag:s10] =	ssyncset.done @!p3 $0x0  }
0x86: {  	s22 =	simm.s32 @!p3 $0x100;
	s11 =	simm.s32 @!p3 $0x4600;
	[sflag:s10] =	ssyncadd.s32 @!p3 $0xFFFFFF00  }
0x87: {  	[tilespmem:s11], [sflag:$0x8] =	stream.indirect.gather @!p3 [hbm4b:s1+s20], $0x80, s22, s20, $0xb8;
	[tilespmem:$0x1FEC0] =	vst v63  }
0x88: {  	p0 =	por p4, p0;
	s23 =	sadd.s32 $0x4, s18;
	_ =	swait.ge @!p6 [sflag:s3], $0x4000  }
0x89: {  	s14 =	simm.s32 @!p0 $0xC;
	p4 =	sge.u32 s23, s6;
	[sflag:s3] =	ssyncset.done @!p6 $0x0  }
0x8a: {  	s8 =	simm.s32 @!p6 $0x600;
	s2 =	simm.s32 @!p6 $0x80;
	[sflag:s3] =	ssyncadd.s32 @!p6 $0xFFFFC000  }
0x8b: {  	[spmem:s4] =	stream.indirect.scatter.add.f32 @!p6 [tilespmem:s8], [sflag:$0xA], $0x80, s2, s2, $0xb8;
	[tilespmem:$0x1FEC0] =	vst v63  }
0x8c: {  	s12 =	simm.s32 @!p4 $0x0;
	s10 =	sadd.s32 @!p4 $0xFFFFFF60, s29;
	s3 =	simm.s32 @!p4 $0x400  }
0x8d: {  	[tilespmem:s3], [sflag:$0x5] =	stream.linear.gather @!p4 [hbm4b:s10+s12], $0x100, $0x38;
	[tilespmem:$0x1FEC0] =	vst v63  }
0x8e: {  	s9 =	sadd.s32 $0x2, s18;
	_ =	swait.ge @!p0 [sflag:s14], $0x4000  }
0x8f: {  	p5 =	sge.u32 s9, s6;
	[sflag:s14] =	ssyncset.done @!p0 $0x0  }
0x90: {  	s2 =	simm.s32 @!p5 $0x3;
	[sflag:s14] =	ssyncadd.s32 @!p0 $0xFFFFC000  }
0x91: {  	s15 =	simm.s32 @!p5 $0x200;
	_ =	swait.ge @!p5 [sflag:s2], $0x100  }
0x92: {  	s16 =	simm.s32 @!p3 $0x8;
	s22 =	sadd.s32 $0x5, s18;
	[sflag:s2] =	ssyncset.done @!p5 $0x0  }
0x93: {  	s8 =	simm.s32 @!p5 $0x80;
	s14 =	simm.s32 @!p5 $0x8600;
	[sflag:s2] =	ssyncadd.s32 @!p5 $0xFFFFFF00  }
0x94: {  	[tilespmem:s14], [sflag:$0x9] =	stream.indirect.gather @!p5 [hbm4b:s1+s8], $0x80, s15, s8, $0xb8;
	[tilespmem:$0x1FEC0] =	vst v63  }
0x95: {  	p1 =	sge.u32 s22, s6;
	_ =	swait.ge @!p3 [sflag:s16], $0x4000  }
0x96: {  	s10 =	sadd.s32 @!p1 $0xFFFFFF80, s29;
	[sflag:s16] =	ssyncset.done @!p3 $0x0  }
0x97: {  	p0 =	sgt.u32 s9, s13;
	s9 =	simm.s32 @!p3 $0x180;
	[sflag:s16] =	ssyncadd.s32 @!p3 $0xFFFFC000  }
0x98: {  	[spmem:s4] =	stream.indirect.scatter.add.f32 @!p3 [tilespmem:s11], [sflag:$0xB], $0x80, s9, s20, $0xb8;
	[tilespmem:$0x1FEC0] =	vst v63  }
0x99: {  	s12 =	simm.s32 @!p1 $0x0;
	s2 =	simm.s32 @!p1 $0x500;
	s9 =	simm.s32 @!p0 $0xA  }
0x9a: {  	[tilespmem:s2], [sflag:$0x6] =	stream.linear.gather @!p1 [hbm4b:s10+s12], $0x100, $0x38;
	[tilespmem:$0x1FEC0] =	vst v63  }
0x9b: {  	s15 =	sadd.s32 $0x3, s18;
	_ =	swait.ge @!p0 [sflag:s9], $0x4000  }
0x9c: {  	p6 =	sge.u32 s15, s6;
	[sflag:s9] =	ssyncset.done @!p0 $0x0  }
0x9d: {  	[sflag:s9] =	ssyncadd.s32 @!p0 $0xFFFFC000;
	s9 =	simm.s32 @!p6 $0x4  }
0x9e: {  	_ =	swait.ge @!p6 [sflag:s9], $0x100  }
0x9f: {  	s16 =	simm.s32 @!p6 $0x300;
	s11 =	simm.s32 @!p6 $0x600;
	[sflag:s9] =	ssyncset.done @!p6 $0x0  }
0xa0: {  	s12 =	simm.s32 @!p6 $0x80;
	[sflag:s9] =	ssyncadd.s32 @!p6 $0xFFFFFF00;
	s9 =	simm.s32 @!p5 $0x9  }
0xa1: {  	[tilespmem:s11], [sflag:$0x7] =	stream.indirect.gather @!p6 [hbm4b:s1+s12], $0x80, s16, s12, $0xb8;
	[tilespmem:$0x1FEC0] =	vst v63  }
0xa2: {  	_ =	swait.ge @!p5 [sflag:s9], $0x4000  }
0xa3: {  	p3 =	sge.u32 s31, s6;
	[sflag:s9] =	ssyncset.done @!p5 $0x0  }
0xa4: {  	s10 =	simm.s32 @!p5 $0x280;
	p0 =	sgt.u32 s15, s13;
	[sflag:s9] =	ssyncadd.s32 @!p5 $0xFFFFC000  }
0xa5: {  	[spmem:s4] =	stream.indirect.scatter.add.f32 @!p5 [tilespmem:s14], [sflag:$0xC], $0x80, s10, s8, $0xb8;
	[tilespmem:$0x1FEC0] =	vst v63  }
0xa6: {  	s20 =	simm.s32 @!p3 $0x0;
	s8 =	sadd.s32 @!p3 $0xFFFFFFA0, s29;
	s10 =	simm.s32 @!p0 $0xB  }
0xa7: {  	[tilespmem:s20], [sflag:$0x1] =	stream.linear.gather @!p3 [hbm4b:s8+s20], $0x100, $0x38;
	[tilespmem:$0x1FEC0] =	vst v63  }
0xa8: {  	_ =	swait.ge @!p0 [sflag:s10], $0x4000  }
0xa9: {  	[sflag:s10] =	ssyncset.done @!p0 $0x0  }
0xaa: {  	s14 =	simm.s32 @!p4 $0x5;
	[sflag:s10] =	ssyncadd.s32 @!p0 $0xFFFFC000  }
0xab: {  	_ =	swait.ge @!p4 [sflag:s14], $0x100  }
0xac: {  	s9 =	simm.s32 @!p4 $0x4600;
	[sflag:s14] =	ssyncset.done @!p4 $0x0  }
0xad: {  	s8 =	simm.s32 @!p4 $0x80;
	s10 =	simm.s32 @!p6 $0x7;
	[sflag:s14] =	ssyncadd.s32 @!p4 $0xFFFFFF00  }
0xae: {  	[tilespmem:s9], [sflag:$0x8] =	stream.indirect.gather @!p4 [hbm4b:s1+s8], $0x80, s3, s8, $0xb8;
	[tilespmem:$0x1FEC0] =	vst v63  }
0xaf: {  	s16 =	sadd.s32 $0x7, s18;
	_ =	swait.ge @!p6 [sflag:s10], $0x4000  }
0xb0: {  	p5 =	sge.u32 s16, s6;
	p0 =	sgt.u32 s23, s13;
	[sflag:s10] =	ssyncset.done @!p6 $0x0  }
0xb1: {  	s15 =	simm.s32 @!p0 $0xC;
	[sflag:s10] =	ssyncadd.s32 @!p6 $0xFFFFC000;
	s10 =	simm.s32 @!p6 $0x380  }
0xb2: {  	[spmem:s4] =	stream.indirect.scatter.add.f32 @!p6 [tilespmem:s11], [sflag:$0xA], $0x80, s10, s12, $0xb8;
	[tilespmem:$0x1FEC0] =	vst v63  }
0xb3: {  	s14 =	simm.s32 @!p5 $0x0;
	s3 =	sadd.s32 @!p5 $0xFFFFFFC0, s29;
	s10 =	simm.s32 @!p5 $0x100  }
0xb4: {  	[tilespmem:s10], [sflag:$0x2] =	stream.linear.gather @!p5 [hbm4b:s3+s14], $0x100, $0x38;
	[tilespmem:$0x1FEC0] =	vst v63  }
0xb5: {  	_ =	swait.ge @!p0 [sflag:s15], $0x4000  }
0xb6: {  	s19 =	sadd.s32 $0x6, s19;
	[sflag:s15] =	ssyncset.done @!p0 $0x0  }
0xb7: {  	p2 =	sne.s32 s19, $0x54;
	s10 =	simm.s32 @!p1 $0x6;
	[sflag:s15] =	ssyncadd.s32 @!p0 $0xFFFFC000  }
0xb8: {  	s17 =	smov.u32 s29;
	s31 =	smov.u32 s19;
	_ =	swait.ge @!p1 [sflag:s10], $0x100  }
0xb9: {  	s23 =	simm.s32 @!p1 $0x80;
	s11 =	simm.s32 @!p4 $0x8;
	[sflag:s10] =	ssyncset.done @!p1 $0x0  }
0xba: {  	s3 =	simm.s32 @!p1 $0x8600;
	p5 =	sgt.u32 s22, s13;
	[sflag:s10] =	ssyncadd.s32 @!p1 $0xFFFFFF00  }
0xbb: {  	[tilespmem:s3], [sflag:$0x9] =	stream.indirect.gather @!p1 [hbm4b:s1+s23], $0x80, s2, s23, $0xb8;
	[tilespmem:$0x1FEC0] =	vst v63  }
.Ltmp0:
0xbc: {  	s22 =	sadd.s32 $0x8, s18;
	_ =	swait.ge @!p4 [sflag:s11], $0x4000;
	(pc) =	sbr.rel @p2 .LBB2_2-.Ltmp0, $4  }
0xbd: {  	s12 =	simm.s32 @!p4 $0x480;
	p0 =	sge.u32 s22, s6;
	[sflag:s11] =	ssyncset.done @!p4 $0x0  }
0xbe: {  	s22 =	sadd.s32 @!p0 $0xFFFFFFE0, s29;
	s29 =	sadd.s32 $0xC0, s29;
	[sflag:s11] =	ssyncadd.s32 @!p4 $0xFFFFC000  }
0xbf: {  	[spmem:s4] =	stream.indirect.scatter.add.f32 @!p4 [tilespmem:s9], [sflag:$0xB], $0x80, s12, s8, $0xb8;
	[tilespmem:$0x1FEC0] =	vst v63  }
0xc0: {  	s10 =	simm.s32 @!p0 $0x0;
	s2 =	simm.s32 @!p5 $0xA;
	s8 =	simm.s32 @!p0 $0x200  }
0xc1: {  	[tilespmem:s8], [sflag:$0x3] =	stream.linear.gather @!p0 [hbm4b:s22+s10], $0x100, $0x38;
	[tilespmem:$0x1FEC0] =	vst v63  }
0xc2: {  	_ =	swait.ge @!p5 [sflag:s2], $0x4000  }
0xc3: {  	[sflag:s2] =	ssyncset.done @!p5 $0x0  }
0xc4: {  	s8 =	simm.s32 @!p3 $0x1;
	[sflag:s2] =	ssyncadd.s32 @!p5 $0xFFFFC000  }
0xc5: {  	_ =	swait.ge @!p3 [sflag:s8], $0x100  }
0xc6: {  	s9 =	simm.s32 @!p3 $0x80;
	[sflag:s8] =	ssyncset.done @!p3 $0x0  }
0xc7: {  	s10 =	simm.s32 @!p3 $0x600;
	s2 =	simm.s32 @!p1 $0x9;
	[sflag:s8] =	ssyncadd.s32 @!p3 $0xFFFFFF00  }
0xc8: {  	[tilespmem:s10], [sflag:$0x7] =	stream.indirect.gather @!p3 [hbm4b:s1+s9], $0x80, s20, s9, $0xb8;
	[tilespmem:$0x1FEC0] =	vst v63  }
0xc9: {  	p2 =	seq.s32 s30, $0x0;
	_ =	swait.ge @!p1 [sflag:s2], $0x4000  }
0xca: {  	p0 =	sgt.u32 @!p2 s30, s13;
	[sflag:s2] =	ssyncset.done @!p1 $0x0  }
0xcb: {  	s20 =	sadd.s32 $0x9, s18;
	s9 =	simm.s32 @!p1 $0x580;
	[sflag:s2] =	ssyncadd.s32 @!p1 $0xFFFFC000  }
0xcc: {  	[spmem:s4] =	stream.indirect.scatter.add.f32 @!p1 [tilespmem:s3], [sflag:$0xC], $0x80, s9, s23, $0xb8;
	[tilespmem:$0x1FEC0] =	vst v63  }
0xcd: {  	p1 =	por p0, p2;
	p0 =	sge.u32 s20, s6  }
0xce: {  	s2 =	simm.s32 @!p1 $0xB;
	s3 =	simm.s32 @!p0 $0x0;
	s8 =	simm.s32 @!p0 $0x300  }
0xcf: {  	[tilespmem:s8], [sflag:$0x4] =	stream.linear.gather @!p0 [hbm4b:s17+s3], $0x100, $0x38;
	[tilespmem:$0x1FEC0] =	vst v63  }
0xd0: {  	_ =	swait.ge @!p1 [sflag:s2], $0x4000  }
0xd1: {  	s22 =	rddreg [dreg:$0x6]  }
0xd2: {  	[sflag:s2] =	ssyncset.done @!p1 $0x0;
	p0 =	sge.u32 s30, s22  }
0xd3: {  	p3 =	sge.u32 s30, s6;
	[sflag:s2] =	ssyncadd.s32 @!p1 $0xFFFFC000;
	s2 =	simm.s32 @!p0 $0x2  }
0xd4: {  	s11 =	simm.s32 @!p3 $0x80;
	_ =	swait.ge @!p0 [sflag:s2], $0x100  }
0xd5: {  	s8 =	simm.s32 @!p3 $0x7;
	s9 =	simm.s32 @!p0 $0x80;
	[sflag:s2] =	ssyncset.done @!p0 $0x0  }
0xd6: {  	s3 =	simm.s32 @!p0 $0x100;
	s10 =	simm.s32 @!p0 $0x4600;
	[sflag:s2] =	ssyncadd.s32 @!p0 $0xFFFFFF00  }
0xd7: {  	[tilespmem:s10], [sflag:$0x8] =	stream.indirect.gather @!p0 [hbm4b:s1+s9], $0x80, s3, s9, $0xb8;
	[tilespmem:$0x1FEC0] =	vst v63  }
0xd8: {  	s23 =	sadd.s32 $0x4, s30;
	p1 =	sgt.u32 @!p2 s30, s6;
	_ =	swait.ge @!p3 [sflag:s8], $0x4000  }
0xd9: {  	p2 =	por p1, p2;
	p1 =	sge.u32 s23, s6;
	[sflag:s8] =	ssyncset.done @!p3 $0x0  }
0xda: {  	s12 =	sadd.s32 @!p1 $0xFFFFFF60, s29;
	s2 =	simm.s32 @!p3 $0x600;
	[sflag:s8] =	ssyncadd.s32 @!p3 $0xFFFFC000  }
0xdb: {  	[spmem:s4] =	stream.indirect.scatter.add.f32 @!p3 [tilespmem:s2], [sflag:$0xA], $0x80, s11, s11, $0xb8;
	[tilespmem:$0x1FEC0] =	vst v63  }
0xdc: {  	s8 =	simm.s32 @!p1 $0x400;
	s2 =	simm.s32 @!p1 $0x0;
	s11 =	simm.s32 @!p2 $0xC  }
0xdd: {  	[tilespmem:s8], [sflag:$0x5] =	stream.linear.gather @!p1 [hbm4b:s12+s2], $0x100, $0x38;
	[tilespmem:$0x1FEC0] =	vst v63  }
0xde: {  	s17 =	sadd.s32 $0x2, s30;
	_ =	swait.ge @!p2 [sflag:s11], $0x4000  }
0xdf: {  	p4 =	sge.u32 s17, s6;
	[sflag:s11] =	ssyncset.done @!p2 $0x0  }
0xe0: {  	s14 =	simm.s32 @!p4 $0x3;
	[sflag:s11] =	ssyncadd.s32 @!p2 $0xFFFFC000  }
0xe1: {  	_ =	swait.ge @!p4 [sflag:s14], $0x100  }
0xe2: {  	s15 =	simm.s32 @!p4 $0x80;
	s16 =	simm.s32 @!p4 $0x8600;
	[sflag:s14] =	ssyncset.done @!p4 $0x0  }
0xe3: {  	s11 =	simm.s32 @!p4 $0x200;
	[sflag:s14] =	ssyncadd.s32 @!p4 $0xFFFFFF00;
	s14 =	simm.s32 @!p0 $0x8  }
0xe4: {  	[tilespmem:s16], [sflag:$0x9] =	stream.indirect.gather @!p4 [hbm4b:s1+s15], $0x80, s11, s15, $0xb8;
	[tilespmem:$0x1FEC0] =	vst v63  }
0xe5: {  	s18 =	sadd.s32 $0x5, s30;
	_ =	swait.ge @!p0 [sflag:s14], $0x4000  }
0xe6: {  	p3 =	sgt.u32 s17, s13;
	p2 =	sge.u32 s18, s6;
	[sflag:s14] =	ssyncset.done @!p0 $0x0  }
0xe7: {  	s12 =	simm.s32 @!p0 $0x180;
	s11 =	sadd.s32 @!p2 $0xFFFFFF80, s29;
	[sflag:s14] =	ssyncadd.s32 @!p0 $0xFFFFC000  }
0xe8: {  	[spmem:s4] =	stream.indirect.scatter.add.f32 @!p0 [tilespmem:s10], [sflag:$0xB], $0x80, s12, s9, $0xb8;
	[tilespmem:$0x1FEC0] =	vst v63  }
0xe9: {  	s9 =	simm.s32 @!p2 $0x0;
	s10 =	simm.s32 @!p2 $0x500;
	s12 =	simm.s32 @!p3 $0xA  }
0xea: {  	[tilespmem:s10], [sflag:$0x6] =	stream.linear.gather @!p2 [hbm4b:s11+s9], $0x100, $0x38;
	[tilespmem:$0x1FEC0] =	vst v63  }
0xeb: {  	s19 =	sadd.s32 $0x3, s30;
	_ =	swait.ge @!p3 [sflag:s12], $0x4000  }
0xec: {  	p0 =	sge.u32 s19, s6;
	[sflag:s12] =	ssyncset.done @!p3 $0x0  }
0xed: {  	s11 =	simm.s32 @!p0 $0x4;
	[sflag:s12] =	ssyncadd.s32 @!p3 $0xFFFFC000  }
0xee: {  	_ =	swait.ge @!p0 [sflag:s11], $0x100  }
0xef: {  	s14 =	simm.s32 @!p0 $0x80;
	[sflag:s11] =	ssyncset.done @!p0 $0x0  }
0xf0: {  	s12 =	simm.s32 @!p0 $0x600;
	[sflag:s11] =	ssyncadd.s32 @!p0 $0xFFFFFF00;
	s11 =	simm.s32 @!p0 $0x300  }
0xf1: {  	[tilespmem:s12], [sflag:$0x7] =	stream.indirect.gather @!p0 [hbm4b:s1+s14], $0x80, s11, s14, $0xb8;
	[tilespmem:$0x1FEC0] =	vst v63  }
0xf2: {  	s11 =	simm.s32 @!p4 $0x9  }
0xf3: {  	_ =	swait.ge @!p4 [sflag:s11], $0x4000  }
0xf4: {  	p5 =	sgt.u32 s19, s13;
	[sflag:s11] =	ssyncset.done @!p4 $0x0  }
0xf5: {  	p3 =	sge.u32 s31, s6;
	[sflag:s11] =	ssyncadd.s32 @!p4 $0xFFFFC000;
	s11 =	simm.s32 @!p4 $0x280  }
0xf6: {  	[spmem:s4] =	stream.indirect.scatter.add.f32 @!p4 [tilespmem:s16], [sflag:$0xC], $0x80, s11, s15, $0xb8;
	[tilespmem:$0x1FEC0] =	vst v63  }
0xf7: {  	s9 =	simm.s32 @!p3 $0x0;
	s11 =	sadd.s32 @!p3 $0xFFFFFFA0, s29;
	s15 =	simm.s32 @!p5 $0xB  }
0xf8: {  	[tilespmem:s9], [sflag:$0x1] =	stream.linear.gather @!p3 [hbm4b:s11+s9], $0x100, $0x38;
	[tilespmem:$0x1FEC0] =	vst v63  }
0xf9: {  	_ =	swait.ge @!p5 [sflag:s15], $0x4000  }
0xfa: {  	[sflag:s15] =	ssyncset.done @!p5 $0x0  }
0xfb: {  	s11 =	simm.s32 @!p1 $0x5;
	[sflag:s15] =	ssyncadd.s32 @!p5 $0xFFFFC000  }
0xfc: {  	_ =	swait.ge @!p1 [sflag:s11], $0x100  }
0xfd: {  	s16 =	simm.s32 @!p1 $0x4600;
	[sflag:s11] =	ssyncset.done @!p1 $0x0  }
0xfe: {  	s15 =	simm.s32 @!p1 $0x80;
	[sflag:s11] =	ssyncadd.s32 @!p1 $0xFFFFFF00;
	s11 =	simm.s32 @!p0 $0x7  }
0xff: {  	[tilespmem:s16], [sflag:$0x8] =	stream.indirect.gather @!p1 [hbm4b:s1+s15], $0x80, s8, s15, $0xb8;
	[tilespmem:$0x1FEC0] =	vst v63  }
0x100: {  	_ =	swait.ge @!p0 [sflag:s11], $0x4000  }
0x101: {  	s20 =	sadd.s32 $0x7, s30;
	s3 =	simm.s32 @!p0 $0x380;
	[sflag:s11] =	ssyncset.done @!p0 $0x0  }
0x102: {  	p4 =	sge.u32 s20, s6;
	p5 =	sgt.u32 s23, s13;
	[sflag:s11] =	ssyncadd.s32 @!p0 $0xFFFFC000  }
0x103: {  	[spmem:s4] =	stream.indirect.scatter.add.f32 @!p0 [tilespmem:s12], [sflag:$0xA], $0x80, s3, s14, $0xb8;
	[tilespmem:$0x1FEC0] =	vst v63  }
0x104: {  	s8 =	simm.s32 @!p4 $0x0;
	s11 =	simm.s32 @!p4 $0x100;
	s3 =	sadd.s32 @!p4 $0xFFFFFFC0, s29  }
0x105: {  	[tilespmem:s11], [sflag:$0x2] =	stream.linear.gather @!p4 [hbm4b:s3+s8], $0x100, $0x38;
	[tilespmem:$0x1FEC0] =	vst v63  }
0x106: {  	s3 =	simm.s32 @!p5 $0xC  }
0x107: {  	_ =	swait.ge @!p5 [sflag:s3], $0x4000  }
0x108: {  	[sflag:s3] =	ssyncset.done @!p5 $0x0  }
0x109: {  	[sflag:s3] =	ssyncadd.s32 @!p5 $0xFFFFC000;
	s3 =	simm.s32 @!p2 $0x6  }
0x10a: {  	_ =	swait.ge @!p2 [sflag:s3], $0x100  }
0x10b: {  	s8 =	simm.s32 @!p1 $0x8;
	[sflag:s3] =	ssyncset.done @!p2 $0x0  }
0x10c: {  	s11 =	simm.s32 @!p2 $0x80;
	[sflag:s3] =	ssyncadd.s32 @!p2 $0xFFFFFF00;
	s3 =	simm.s32 @!p2 $0x8600  }
0x10d: {  	[tilespmem:s3], [sflag:$0x9] =	stream.indirect.gather @!p2 [hbm4b:s1+s11], $0x80, s10, s11, $0xb8;
	[tilespmem:$0x1FEC0] =	vst v63  }
0x10e: {  	_ =	swait.ge @!p1 [sflag:s8], $0x4000  }
0x10f: {  	s22 =	sadd.s32 $0x8, s30;
	[sflag:s8] =	ssyncset.done @!p1 $0x0  }
0x110: {  	p0 =	sge.u32 s22, s6;
	[sflag:s8] =	ssyncadd.s32 @!p1 $0xFFFFC000;
	s8 =	simm.s32 @!p1 $0x480  }
0x111: {  	[spmem:s4] =	stream.indirect.scatter.add.f32 @!p1 [tilespmem:s16], [sflag:$0xB], $0x80, s8, s15, $0xb8;
	[tilespmem:$0x1FEC0] =	vst v63  }
0x112: {  	s12 =	simm.s32 @!p0 $0x200;
	s10 =	simm.s32 @!p0 $0x0;
	s8 =	sadd.s32 @!p0 $0xFFFFFFE0, s29  }
0x113: {  	[tilespmem:s12], [sflag:$0x3] =	stream.linear.gather @!p0 [hbm4b:s8+s10], $0x100, $0x38;
	[tilespmem:$0x1FEC0] =	vst v63  }
0x114: {  	p0 =	sgt.u32 s18, s13  }
0x115: {  	s2 =	simm.s32 @!p0 $0xA  }
0x116: {  	_ =	swait.ge @!p0 [sflag:s2], $0x4000  }
0x117: {  	[sflag:s2] =	ssyncset.done @!p0 $0x0  }
0x118: {  	s8 =	simm.s32 @!p3 $0x1;
	[sflag:s2] =	ssyncadd.s32 @!p0 $0xFFFFC000  }
0x119: {  	_ =	swait.ge @!p3 [sflag:s8], $0x100  }
0x11a: {  	[sflag:s8] =	ssyncset.done @!p3 $0x0  }
0x11b: {  	s2 =	simm.s32 @!p3 $0x80;
	[sflag:s8] =	ssyncadd.s32 @!p3 $0xFFFFFF00;
	s8 =	simm.s32 @!p3 $0x600  }
0x11c: {  	[tilespmem:s8], [sflag:$0x7] =	stream.indirect.gather @!p3 [hbm4b:s1+s2], $0x80, s9, s2, $0xb8;
	[tilespmem:$0x1FEC0] =	vst v63  }
0x11d: {  	s2 =	simm.s32 @!p2 $0x9  }
0x11e: {  	_ =	swait.ge @!p2 [sflag:s2], $0x4000  }
0x11f: {  	s23 =	sadd.s32 $0x9, s30;
	[sflag:s2] =	ssyncset.done @!p2 $0x0  }
0x120: {  	p0 =	sge.u32 s23, s6;
	[sflag:s2] =	ssyncadd.s32 @!p2 $0xFFFFC000;
	s2 =	simm.s32 @!p2 $0x580  }
0x121: {  	[spmem:s4] =	stream.indirect.scatter.add.f32 @!p2 [tilespmem:s3], [sflag:$0xC], $0x80, s2, s11, $0xb8;
	[tilespmem:$0x1FEC0] =	vst v63  }
0x122: {  	s2 =	simm.s32 @!p0 $0x0;
	s3 =	simm.s32 @!p0 $0x300  }
0x123: {  	[tilespmem:s3], [sflag:$0x4] =	stream.linear.gather @!p0 [hbm4b:s29+s2], $0x100, $0x38;
	[tilespmem:$0x1FEC0] =	vst v63  }
0x124: {  	[bflag:$0x0] =	sbarrier.arrive $0xFFFF  }
0x125: {  	s30 =	sld [smem:$0x7FD];
	_ =	sdelay $0x2  }
0x126: {  	p2 =	seq.s32 s30, $0x1  }
0x127: {  	s3 =	rddreg [dreg:$0xd];
	s2 =	simm.s32 @p2 $0x1FCD  }
0x128: {  	[hbm:s3], [sflag:s2] =	dma.local @p2 [spmem:s25], $0x2100  }
0x129: {  	s2 =	simm.s32 @p2 $0xD  }
0x12a: {  	_ =	swait.ge @p2 [sflag:s2], $0x2100  }
0x12b: {  	[sflag:s2] =	ssyncset.done @p2 $0x0  }
0x12c: {  	[sflag:s2] =	ssyncadd.s32 @p2 $0xFFFFDF00;
	s2 =	rddreg [dreg:$0xc]  }
0x12d: {  	[hbm:s2], [sflag:s26] =	dma.local @!p2 [spmem:s28], $0x2780  }
0x12e: {  	s2 =	simm.s32 @!p2 $0xD  }
0x12f: {  	_ =	swait.ge @!p2 [sflag:s2], $0x2780  }
0x130: {  	s24 =	sadd.s32 $0x1, s24;
	s31 =	rddreg [dreg:$0xe]  }
0x131: {  	p0 =	sne.s32 s24, s31  }
.Ltmp1:
0x132: {  	_ = 	snop;
	(pc) =	sbr.rel @p0 .LBB2_1-.Ltmp1, $3  }
0x133: {  	_ =	sdelay $0x1  }
0x134: {  	[sflag:s2] =	ssyncset.done @!p2 $0x0  }
0x135: {  	[sflag:s2] =	ssyncadd.s32 @!p2 $0xFFFFD880  }
0x136: {  	_ =	sfence.sel $0x180000  }
0x137: {  	[bflag:$0x0] =	sbarrier.arrive $0xFFFF  }
0x138: {  	_ =	strace $0x90000047  }
0x139: {  	s0 =	stileid.u32;
	[bflag:$0x2] =	sbarrier.arrive $0xFFFF  }
0x13a: {  	p0 =	sne.s32 s0, $0x0;
	s0 =	rddreg [dreg:$0x5]  }
0x13b: {  	s0 =	sadd.s32 @!p0 $0x100000, s0  }
0x13c: {  	[sflag:s0] =	ssyncadd.tile.s32 @!p0 $0x1;
	_ =	shalt  }
.Lfunc_end2:
_tile_overlayer_lowered:
.L_overlay_start_2:
0x13d: {  	(tag) =	ssettag $0x2  }
0x13e: {  	s0 =	rddreg [dreg:$0x0];
	s2 =	stileid.u32  }
0x13f: {  	s1 =	rddreg [dreg:$0x1];
	p0 =	sne.s32 s2, $0x0  }
0x140: {  	s3 =	rddreg [dreg:$0x2];
	[bflag:$0x3] =	sbarrier.arrive $0xFFFF;
	s2 =	simm.s32 @!p0 $0x1C0D  }
0x141: {  	[timem:s3], [sflag:s2] =	dma.local @!p0 [hbm:s0], s1  }
0x142: {  	s0 =	simm.s32 @!p0 $0xD  }
0x143: {  	_ =	swait.ge @!p0 [sflag:s0], s1  }
0x144: {  	s1 =	ssub.s32 @!p0 $0x0, s1;
	[sflag:s0] =	ssyncset.done @!p0 $0x0  }
0x145: {  	[sflag:s0] =	ssyncadd.s32 @!p0 s1  }
0x146: {  	[bflag:$0x3] =	sbarrier.arrive $0xFFFF  }
0x147: {  	_ =	shalt  }

</sc_bundles>
